<compile_context>
chip_gen: v7x
topology: tpu7x:2x2x1
jax: 0.10.2.dev20260603
libtpu: 0.0.44.dev20260713+nightly
codegen_flags: <defaults>
</compile_context>

<pallas_src>
import jax
import jax.numpy as jnp
from jax import lax
from jax.experimental import pallas as pl
from jax.experimental.pallas import tpu as pltpu
from jax.experimental.pallas import tpu_sc as plsc

V = 4096
B, L = 1024, 20
N = B * L
NC, NS = 2, 16
NW = NC * NS
RPW = N // NW
K = 8
STEPS = RPW // K
LANES = 16


def _sc_gather_body(table_hbm, idx_hbm, tgt_hbm, out_hbm, tpart_hbm,
                    idx_v, tgt_v, acc_v,
                    rows0, rows1, rows2, sg0, sg1, sg2, so0, so1, so2):
    wid = lax.axis_index("s") * NC + lax.axis_index("c")
    base = wid * RPW
    bufs = (rows0, rows1, rows2)
    gsems = (sg0, sg1, sg2)
    osems = (so0, so1, so2)

    pltpu.sync_copy(idx_hbm.at[pl.ds(base, RPW)], idx_v)
    pltpu.sync_copy(tgt_hbm.at[pl.ds(base, RPW + LANES - K)], tgt_v)

    def start_gather(g, b):
        src = table_hbm.at[idx_v.at[pl.ds(g * K, K)]]
        pltpu.make_async_copy(src, bufs[b], gsems[b]).start()

    def wait_gather(b):
        pltpu.make_async_copy(
            table_hbm.at[idx_v.at[pl.ds(0, K)]], bufs[b], gsems[b]
        ).wait()

    def start_out(g, b):
        dst = out_hbm.at[pl.ds(base + g * K, K)]
        pltpu.make_async_copy(bufs[b], dst, osems[b]).start()

    def wait_out(b):
        pltpu.make_async_copy(
            bufs[b], out_hbm.at[pl.ds(base, K)], osems[b]
        ).wait()

    start_gather(0, 0)
    lane = lax.iota(jnp.int32, LANES)
    valid = lane < K
    row_sel = jnp.where(valid, lane, 0)

    def extract(g, b, acc):
        tv = tgt_v[pl.ds(g * K, LANES)]
        got = plsc.load_gather(bufs[b], [row_sel, tv], mask=valid)
        return acc + jnp.where(valid, got, 0.0)

    def step(i, acc):
        for b in range(3):
            g = 3 * i + b

            @pl.when(g >= 2)
            def _():
                wait_out((b + 1) % 3)

            @pl.when(g + 1 < STEPS)
            def _():
                start_gather(g + 1, (b + 1) % 3)

            wait_gather(b)
            start_out(g, b)
            acc = extract(g, b, acc)
        return acc

    acc = lax.fori_loop(
        0, STEPS // 3, step, jnp.zeros((LANES,), jnp.float32)
    )
    for g in range(STEPS - STEPS % 3, STEPS):
        b = g % 3
        wait_out((b + 1) % 3)
        if g + 1 < STEPS:
            start_gather(g + 1, (b + 1) % 3)
        wait_gather(b)
        start_out(g, b)
        acc = extract(g, b, acc)
    wait_out((STEPS - 2) % 3)
    wait_out((STEPS - 1) % 3)
    acc_v[...] = acc
    pltpu.sync_copy(acc_v, tpart_hbm.at[pl.ds(wid * LANES, LANES)])


_sc_gather = pl.kernel(
    _sc_gather_body,
    out_type=(
        jax.ShapeDtypeStruct((N, V), jnp.float32),
        jax.ShapeDtypeStruct((NW * LANES,), jnp.float32),
    ),
    mesh=plsc.VectorSubcoreMesh(core_axis_name="c", subcore_axis_name="s"),
    compiler_params=pltpu.CompilerParams(needs_layout_passes=False),
    scratch_types=[
        pltpu.VMEM((RPW,), jnp.int32),
        pltpu.VMEM((RPW + LANES - K,), jnp.int32),
        pltpu.VMEM((LANES,), jnp.float32),
        pltpu.VMEM((K, V), jnp.float32),
        pltpu.VMEM((K, V), jnp.float32),
        pltpu.VMEM((K, V), jnp.float32),
        pltpu.SemaphoreType.DMA,
        pltpu.SemaphoreType.DMA,
        pltpu.SemaphoreType.DMA,
        pltpu.SemaphoreType.DMA,
        pltpu.SemaphoreType.DMA,
        pltpu.SemaphoreType.DMA,
    ],
)


def _sc_lse_gather_body(lse_hbm, idx_hbm, part_hbm, lse_v, idx_v, acc_v):
    wid = lax.axis_index("s") * NC + lax.axis_index("c")
    base = wid * RPW
    pltpu.sync_copy(lse_hbm, lse_v)
    pltpu.sync_copy(idx_hbm.at[pl.ds(base, RPW)], idx_v)

    acc = jnp.zeros((LANES,), jnp.float32)
    for j in range(RPW // LANES):
        iv = idx_v[pl.ds(j * LANES, LANES)]
        acc = acc + plsc.load_gather(lse_v, [iv])
    acc_v[...] = acc
    pltpu.sync_copy(acc_v, part_hbm.at[pl.ds(wid * LANES, LANES)])


_sc_lse_gather = pl.kernel(
    _sc_lse_gather_body,
    out_type=jax.ShapeDtypeStruct((NW * LANES,), jnp.float32),
    mesh=plsc.VectorSubcoreMesh(core_axis_name="c", subcore_axis_name="s"),
    compiler_params=pltpu.CompilerParams(needs_layout_passes=False),
    scratch_types=[
        pltpu.VMEM((V,), jnp.float32),
        pltpu.VMEM((RPW,), jnp.int32),
        pltpu.VMEM((LANES,), jnp.float32),
    ],
)


LSE_BLK = 256
LSE_BLKS = V // LSE_BLK


def _tc_lse_body(table_ref, lse_ref):
    x = table_ref[...]
    m = jnp.max(x, axis=1)
    s = jnp.sum(jnp.exp(x - m[:, None]), axis=1)
    lse_ref[...] = jnp.log(s) + m


_tc_lse = pl.pallas_call(
    _tc_lse_body,
    grid=(LSE_BLKS,),
    in_specs=[pl.BlockSpec((LSE_BLK, V), lambda i: (i, 0))],
    out_specs=pl.BlockSpec((LSE_BLK,), lambda i: (i,)),
    out_shape=jax.ShapeDtypeStruct((V,), jnp.float32),
)


def _tc_combine_body(lsep_ref, tgtp_ref, out_ref):
    out_ref[0, 0] = (jnp.sum(lsep_ref[...]) - jnp.sum(tgtp_ref[...])) / N


_tc_combine = pl.pallas_call(
    _tc_combine_body,
    out_specs=pl.BlockSpec(memory_space=pltpu.SMEM),
    out_shape=jax.ShapeDtypeStruct((1, 1), jnp.float32),
)


def kernel(indices, targets, table):
    idx = indices.reshape(-1).astype(jnp.int32)
    tgt = jnp.pad(targets.reshape(-1).astype(jnp.int32), (0, LANES - K))
    logits_flat, tgt_parts = _sc_gather(table, idx, tgt)
    lse = _tc_lse(table)
    lse_parts = _sc_lse_gather(lse, idx)
    loss = _tc_combine(lse_parts, tgt_parts)
    return logits_flat.reshape(indices.shape + (V,)), loss[0, 0]

# --- scband reference (transcript-rebuilt; emitter-appended) ---
"""Pipeline reference for scband-ngram-language-model-12670153523317 (READ-ONLY COPY).

The authoritative reference and input builder live on the scoring server;
editing this copy changes nothing except your own understanding.
"""

import jax, jax.numpy as jnp
import numpy as np

VOCAB = 4096
B, L = 1024, 20

def setup_inputs(seed: int = 0) -> dict:
    key = jax.random.key(seed)
    k1, k2, k3 = jax.random.split(key, 3)
    indices = jax.random.randint(k1, (B, L), 0, VOCAB, dtype=jnp.int64)
    targets = jax.random.randint(k2, (B, L), 0, VOCAB, dtype=jnp.int64)
    # nn.Embedding(vocab_size, vocab_size) weight, N(0,1) init like torch default
    table = jax.random.normal(k3, (VOCAB, VOCAB), dtype=jnp.float32)
    return {"indices": indices, "targets": targets, "table": table}

def reference(indices, targets, table):
    # logits = self.embedding(indices)  -> gather rows of [VOCAB, VOCAB] table
    logits = jnp.take(table, indices, axis=0)  # [B, L, VOCAB]
    V = logits.shape[-1]
    flat_logits = logits.reshape(-1, V)          # [B*L, V]
    flat_targets = targets.reshape(-1)           # [B*L]
    logp = jax.nn.log_softmax(flat_logits, axis=-1)
    nll = -jnp.take_along_axis(logp, flat_targets[:, None], axis=1)[:, 0]
    loss = jnp.mean(nll)  # F.cross_entropy default reduction='mean'
    return (logits, loss)

if __name__ == "__main__":
    import jax
    _d = setup_inputs()
    print(jax.jit(kernel)(*tuple(_d.values())))

</pallas_src>

<mosaic_0001>
#map = affine_map<(d0, d1) -> (0, 0)>
#map1 = affine_map<(d0, d1) -> (0)>
module attributes {stable_mosaic.version = 14 : i64} {
  func.func @_sc_gather_body(%arg0: i32, %arg1: i32, %arg2: memref<4096x4096xf32, #tpu.memory_space<hbm>>, %arg3: memref<20480xi32, #tpu.memory_space<hbm>>, %arg4: memref<20488xi32, #tpu.memory_space<hbm>>, %arg5: memref<20480x4096xf32, #tpu.memory_space<hbm>>, %arg6: memref<512xf32, #tpu.memory_space<hbm>>, %arg7: memref<640xi32, #tpu.memory_space<vmem>>, %arg8: memref<648xi32, #tpu.memory_space<vmem>>, %arg9: memref<16xf32, #tpu.memory_space<vmem>>, %arg10: memref<8x4096xf32, #tpu.memory_space<vmem>>, %arg11: memref<8x4096xf32, #tpu.memory_space<vmem>>, %arg12: memref<8x4096xf32, #tpu.memory_space<vmem>>, %arg13: memref<!tpu.dma_semaphore, #tpu.memory_space<semaphore_mem>>, %arg14: memref<!tpu.dma_semaphore, #tpu.memory_space<semaphore_mem>>, %arg15: memref<!tpu.dma_semaphore, #tpu.memory_space<semaphore_mem>>, %arg16: memref<!tpu.dma_semaphore, #tpu.memory_space<semaphore_mem>>, %arg17: memref<!tpu.dma_semaphore, #tpu.memory_space<semaphore_mem>>, %arg18: memref<!tpu.dma_semaphore, #tpu.memory_space<semaphore_mem>>) attributes {dimension_semantics = [#tpu.dimension_semantics<core_parallel>, #tpu.dimension_semantics<subcore_parallel>], iteration_bounds = array<i64: 2, 16>, scalar_prefetch = 0 : i64, scratch_operands = 12 : i64, tpu.core_type = #tpu.core_type<sc_vector_subcore>, window_params = [{transform_indices = #map}, {transform_indices = #map1}, {transform_indices = #map1}, {transform_indices = #map}, {transform_indices = #map1}]} {
    %mul3A = arith.constant 2 : i32
    %mul3A_0 = arith.muli %arg1, %mul3A : i32
    %add3A = arith.addi %mul3A_0, %arg0 : i32
    %mul3A_1 = arith.constant 640 : i32
    %mul3A_2 = arith.muli %add3A, %mul3A_1 : i32
    "tpu.region"() ({
      %run_scoped3A = tpu.sem_alloc : memref<!tpu.dma_semaphore, #tpu.memory_space<semaphore_mem>>
      %dma_start3A_73 = tpu.memref_slice %arg3[%mul3A_2] : memref<20480xi32, #tpu.memory_space<hbm>> -> memref<640xi32, #tpu.memory_space<hbm>>
      %dma_start3A_74 = tpu.memref_slice %arg3[%mul3A_2] : memref<20480xi32, #tpu.memory_space<hbm>> -> memref<640xi32, #tpu.memory_space<hbm>>
      tpu.enqueue_dma source(%dma_start3A_74 : memref<640xi32, #tpu.memory_space<hbm>>) target(%arg7 : memref<640xi32, #tpu.memory_space<vmem>>) target_semaphore(%run_scoped3A : memref<!tpu.dma_semaphore, #tpu.memory_space<semaphore_mem>>)
      %dma_wait3A_75 = tpu.memref_slice %arg3[%mul3A_2] : memref<20480xi32, #tpu.memory_space<hbm>> -> memref<640xi32, #tpu.memory_space<hbm>>
      %dma_wait3A_76 = tpu.memref_slice %arg3[%mul3A_2] : memref<20480xi32, #tpu.memory_space<hbm>> -> memref<640xi32, #tpu.memory_space<hbm>>
      tpu.wait_dma2 semaphore(%run_scoped3A : memref<!tpu.dma_semaphore, #tpu.memory_space<semaphore_mem>>) src(%dma_wait3A_76 : memref<640xi32, #tpu.memory_space<hbm>>) dst(%arg7 : memref<640xi32, #tpu.memory_space<vmem>>)
      tpu.yield
    }) : () -> ()
    "tpu.region"() ({
      %run_scoped3A = tpu.sem_alloc : memref<!tpu.dma_semaphore, #tpu.memory_space<semaphore_mem>>
      %dma_start3A_73 = tpu.memref_slice %arg4[%mul3A_2] : memref<20488xi32, #tpu.memory_space<hbm>> -> memref<648xi32, #tpu.memory_space<hbm>>
      %dma_start3A_74 = tpu.memref_slice %arg4[%mul3A_2] : memref<20488xi32, #tpu.memory_space<hbm>> -> memref<648xi32, #tpu.memory_space<hbm>>
      tpu.enqueue_dma source(%dma_start3A_74 : memref<648xi32, #tpu.memory_space<hbm>>) target(%arg8 : memref<648xi32, #tpu.memory_space<vmem>>) target_semaphore(%run_scoped3A : memref<!tpu.dma_semaphore, #tpu.memory_space<semaphore_mem>>)
      %dma_wait3A_75 = tpu.memref_slice %arg4[%mul3A_2] : memref<20488xi32, #tpu.memory_space<hbm>> -> memref<648xi32, #tpu.memory_space<hbm>>
      %dma_wait3A_76 = tpu.memref_slice %arg4[%mul3A_2] : memref<20488xi32, #tpu.memory_space<hbm>> -> memref<648xi32, #tpu.memory_space<hbm>>
      tpu.wait_dma2 semaphore(%run_scoped3A : memref<!tpu.dma_semaphore, #tpu.memory_space<semaphore_mem>>) src(%dma_wait3A_76 : memref<648xi32, #tpu.memory_space<hbm>>) dst(%arg8 : memref<648xi32, #tpu.memory_space<vmem>>)
      tpu.yield
    }) : () -> ()
    %dma_start3A = arith.constant 0 : i32
    %dma_start3A_3 = tpu.memref_slice %arg7[%dma_start3A] : memref<640xi32, #tpu.memory_space<vmem>> -> memref<8xi32, #tpu.memory_space<vmem>>
    %dma_start3A_4 = arith.constant 0 : i32
    %dma_start3A_5 = arith.constant 0 : i32
    %dma_start3A_6 = tpu.memref_slice %arg2[%dma_start3A_4, %dma_start3A_5] : memref<4096x4096xf32, #tpu.memory_space<hbm>> -> memref<4096x4096xf32, #tpu.memory_space<hbm>>
    tpu.enqueue_indirect_dma source(%dma_start3A_6 : memref<4096x4096xf32, #tpu.memory_space<hbm>>) target(%arg10 : memref<8x4096xf32, #tpu.memory_space<vmem>>) offsets(%dma_start3A_3 : memref<8xi32, #tpu.memory_space<vmem>>) semaphore(%arg13 : memref<!tpu.dma_semaphore, #tpu.memory_space<semaphore_mem>>)
    %iota3A = tpu.iota {dimensions = array<i32: 0>} : vector<16xi32>
    %lt3A = arith.constant 8 : i32
    %lt3A_7 = vector.broadcast %lt3A : i32 to vector<16xi32>
    %lt3A_8 = arith.cmpi slt, %iota3A, %lt3A_7 : vector<16xi32>
    %jit3A = arith.constant 0 : i32
    %broadcast_in_dim3A = vector.broadcast %jit3A : i32 to vector<16xi32>
    %select_n3A = arith.select %lt3A_8, %iota3A, %broadcast_in_dim3A : vector<16xi1>, vector<16xi32>
    %broadcast_in_dim3A_9 = arith.constant 0.000000e+00 : f32
    %broadcast_in_dim3A_10 = vector.broadcast %broadcast_in_dim3A_9 : f32 to vector<16xf32>
    %scan3A = arith.constant 0 : i32
    %scan3A_11 = arith.constant 26 : i32
    %scan3A_12 = arith.addi %scan3A, %scan3A_11 : i32
    %scan3A_13 = arith.constant 1 : i32
    %scan3A_14 = scf.for %scan3A_73 = %scan3A to %scan3A_12 step %scan3A_13 iter_args(%scan3A_74 = %broadcast_in_dim3A_10) -> (vector<16xf32>)  : i32 {
      %mul3A_75 = arith.constant 3 : i32
      %mul3A_76 = arith.muli %mul3A_75, %scan3A_73 : i32
      %add3A_77 = arith.constant 0 : i32
      %add3A_78 = arith.addi %mul3A_76, %add3A_77 : i32
      %ge3A = arith.constant 2 : i32
      %ge3A_79 = arith.cmpi sge, %add3A_78, %ge3A : i32
      %convert_element_type3A = arith.extui %ge3A_79 : i1 to i32
      %cond3A = arith.constant 0 : i32
      %cond3A_80 = arith.cmpi ne, %convert_element_type3A, %cond3A : i32
      scf.if %cond3A_80 {
        %dma_wait3A_183 = arith.constant 0 : i32
        %dma_wait3A_184 = tpu.memref_slice %arg5[%mul3A_2, %dma_wait3A_183] : memref<20480x4096xf32, #tpu.memory_space<hbm>> -> memref<8x4096xf32, #tpu.memory_space<hbm>>
        %dma_wait3A_185 = arith.constant 0 : i32
        %dma_wait3A_186 = tpu.memref_slice %arg5[%mul3A_2, %dma_wait3A_185] : memref<20480x4096xf32, #tpu.memory_space<hbm>> -> memref<8x4096xf32, #tpu.memory_space<hbm>>
        tpu.wait_dma2 semaphore(%arg17 : memref<!tpu.dma_semaphore, #tpu.memory_space<semaphore_mem>>) src(%arg11 : memref<8x4096xf32, #tpu.memory_space<vmem>>) dst(%dma_wait3A_186 : memref<8x4096xf32, #tpu.memory_space<hbm>>)
      } else {
      }
      %add3A_81 = arith.constant 1 : i32
      %add3A_82 = arith.addi %add3A_78, %add3A_81 : i32
      %lt3A_83 = arith.constant 80 : i32
      %lt3A_84 = arith.cmpi slt, %add3A_82, %lt3A_83 : i32
      %convert_element_type3A_85 = arith.extui %lt3A_84 : i1 to i32
      %cond3A_86 = arith.constant 0 : i32
      %cond3A_87 = arith.cmpi ne, %convert_element_type3A_85, %cond3A_86 : i32
      scf.if %cond3A_87 {
        %add3A_183 = arith.constant 1 : i32
        %add3A_184 = arith.addi %add3A_78, %add3A_183 : i32
        %mul3A_185 = arith.constant 8 : i32
        %mul3A_186 = arith.muli %add3A_184, %mul3A_185 : i32
        %dma_start3A_187 = tpu.memref_slice %arg7[%mul3A_186] : memref<640xi32, #tpu.memory_space<vmem>> -> memref<8xi32, #tpu.memory_space<vmem>>
        %dma_start3A_188 = arith.constant 0 : i32
        %dma_start3A_189 = arith.constant 0 : i32
        %dma_start3A_190 = tpu.memref_slice %arg2[%dma_start3A_188, %dma_start3A_189] : memref<4096x4096xf32, #tpu.memory_space<hbm>> -> memref<4096x4096xf32, #tpu.memory_space<hbm>>
        tpu.enqueue_indirect_dma source(%dma_start3A_190 : memref<4096x4096xf32, #tpu.memory_space<hbm>>) target(%arg11 : memref<8x4096xf32, #tpu.memory_space<vmem>>) offsets(%dma_start3A_187 : memref<8xi32, #tpu.memory_space<vmem>>) semaphore(%arg14 : memref<!tpu.dma_semaphore, #tpu.memory_space<semaphore_mem>>)
      } else {
      }
      %dma_wait3A_88 = arith.constant 0 : i32
      %dma_wait3A_89 = tpu.memref_slice %arg7[%dma_wait3A_88] : memref<640xi32, #tpu.memory_space<vmem>> -> memref<8xi32, #tpu.memory_space<vmem>>
      %dma_wait3A_90 = arith.constant 0 : i32
      %dma_wait3A_91 = arith.constant 0 : i32
      %dma_wait3A_92 = tpu.memref_slice %arg2[%dma_wait3A_90, %dma_wait3A_91] : memref<4096x4096xf32, #tpu.memory_space<hbm>> -> memref<4096x4096xf32, #tpu.memory_space<hbm>>
      tpu.wait_indirect_dma semaphore(%arg13 : memref<!tpu.dma_semaphore, #tpu.memory_space<semaphore_mem>>) src(%dma_wait3A_92 : memref<4096x4096xf32, #tpu.memory_space<hbm>>) dst(%arg10 : memref<8x4096xf32, #tpu.memory_space<vmem>>)
      %mul3A_93 = arith.constant 8 : i32
      %mul3A_94 = arith.muli %add3A_78, %mul3A_93 : i32
      %add3A_95 = arith.addi %mul3A_2, %mul3A_94 : i32
      %dma_start3A_96 = arith.constant 0 : i32
      %dma_start3A_97 = tpu.memref_slice %arg5[%add3A_95, %dma_start3A_96] : memref<20480x4096xf32, #tpu.memory_space<hbm>> -> memref<8x4096xf32, #tpu.memory_space<hbm>>
      %dma_start3A_98 = arith.constant 0 : i32
      %dma_start3A_99 = tpu.memref_slice %arg5[%add3A_95, %dma_start3A_98] : memref<20480x4096xf32, #tpu.memory_space<hbm>> -> memref<8x4096xf32, #tpu.memory_space<hbm>>
      tpu.enqueue_dma source(%arg10 : memref<8x4096xf32, #tpu.memory_space<vmem>>) target(%dma_start3A_99 : memref<8x4096xf32, #tpu.memory_space<hbm>>) target_semaphore(%arg16 : memref<!tpu.dma_semaphore, #tpu.memory_space<semaphore_mem>>)
      %mul3A_100 = arith.constant 8 : i32
      %mul3A_101 = arith.muli %add3A_78, %mul3A_100 : i32
      %get3A_102 = arith.index_cast %mul3A_101 : i32 to index
      %get3A_103 = tpu.vector_load %arg8[%get3A_102] {strides = array<i32>} : memref<648xi32, #tpu.memory_space<vmem>>, vector<16xi32>,
      %gather3A_104 = tpu.vector_load_idx %arg10[%select_n3A, %get3A_103] masked %lt3A_8 : memref<8x4096xf32, #tpu.memory_space<vmem>>[vector<16xi32>, vector<16xi32>], vector<16xf32>, vector<16xi1>
      %jit3A_105 = arith.constant 0.000000e+00 : f32
      %broadcast_in_dim3A_106 = vector.broadcast %jit3A_105 : f32 to vector<16xf32>
      %select_n3A_107 = arith.select %lt3A_8, %gather3A_104, %broadcast_in_dim3A_106 : vector<16xi1>, vector<16xf32>
      %add3A_108 = arith.addf %scan3A_74, %select_n3A_107 : vector<16xf32>
      %mul3A_109 = arith.constant 3 : i32
      %mul3A_110 = arith.muli %mul3A_109, %scan3A_73 : i32
      %add3A_111 = arith.constant 1 : i32
      %add3A_112 = arith.addi %mul3A_110, %add3A_111 : i32
      %ge3A_113 = arith.constant 2 : i32
      %ge3A_114 = arith.cmpi sge, %add3A_112, %ge3A_113 : i32
      %convert_element_type3A_115 = arith.extui %ge3A_114 : i1 to i32
      %cond3A_116 = arith.constant 0 : i32
      %cond3A_117 = arith.cmpi ne, %convert_element_type3A_115, %cond3A_116 : i32
      scf.if %cond3A_117 {
        %dma_wait3A_183 = arith.constant 0 : i32
        %dma_wait3A_184 = tpu.memref_slice %arg5[%mul3A_2, %dma_wait3A_183] : memref<20480x4096xf32, #tpu.memory_space<hbm>> -> memref<8x4096xf32, #tpu.memory_space<hbm>>
        %dma_wait3A_185 = arith.constant 0 : i32
        %dma_wait3A_186 = tpu.memref_slice %arg5[%mul3A_2, %dma_wait3A_185] : memref<20480x4096xf32, #tpu.memory_space<hbm>> -> memref<8x4096xf32, #tpu.memory_space<hbm>>
        tpu.wait_dma2 semaphore(%arg18 : memref<!tpu.dma_semaphore, #tpu.memory_space<semaphore_mem>>) src(%arg12 : memref<8x4096xf32, #tpu.memory_space<vmem>>) dst(%dma_wait3A_186 : memref<8x4096xf32, #tpu.memory_space<hbm>>)
      } else {
      }
      %add3A_118 = arith.constant 1 : i32
      %add3A_119 = arith.addi %add3A_112, %add3A_118 : i32
      %lt3A_120 = arith.constant 80 : i32
      %lt3A_121 = arith.cmpi slt, %add3A_119, %lt3A_120 : i32
      %convert_element_type3A_122 = arith.extui %lt3A_121 : i1 to i32
      %cond3A_123 = arith.constant 0 : i32
      %cond3A_124 = arith.cmpi ne, %convert_element_type3A_122, %cond3A_123 : i32
      scf.if %cond3A_124 {
        %add3A_183 = arith.constant 1 : i32
        %add3A_184 = arith.addi %add3A_112, %add3A_183 : i32
        %mul3A_185 = arith.constant 8 : i32
        %mul3A_186 = arith.muli %add3A_184, %mul3A_185 : i32
        %dma_start3A_187 = tpu.memref_slice %arg7[%mul3A_186] : memref<640xi32, #tpu.memory_space<vmem>> -> memref<8xi32, #tpu.memory_space<vmem>>
        %dma_start3A_188 = arith.constant 0 : i32
        %dma_start3A_189 = arith.constant 0 : i32
        %dma_start3A_190 = tpu.memref_slice %arg2[%dma_start3A_188, %dma_start3A_189] : memref<4096x4096xf32, #tpu.memory_space<hbm>> -> memref<4096x4096xf32, #tpu.memory_space<hbm>>
        tpu.enqueue_indirect_dma source(%dma_start3A_190 : memref<4096x4096xf32, #tpu.memory_space<hbm>>) target(%arg12 : memref<8x4096xf32, #tpu.memory_space<vmem>>) offsets(%dma_start3A_187 : memref<8xi32, #tpu.memory_space<vmem>>) semaphore(%arg15 : memref<!tpu.dma_semaphore, #tpu.memory_space<semaphore_mem>>)
      } else {
      }
      %dma_wait3A_125 = arith.constant 0 : i32
      %dma_wait3A_126 = tpu.memref_slice %arg7[%dma_wait3A_125] : memref<640xi32, #tpu.memory_space<vmem>> -> memref<8xi32, #tpu.memory_space<vmem>>
      %dma_wait3A_127 = arith.constant 0 : i32
      %dma_wait3A_128 = arith.constant 0 : i32
      %dma_wait3A_129 = tpu.memref_slice %arg2[%dma_wait3A_127, %dma_wait3A_128] : memref<4096x4096xf32, #tpu.memory_space<hbm>> -> memref<4096x4096xf32, #tpu.memory_space<hbm>>
      tpu.wait_indirect_dma semaphore(%arg14 : memref<!tpu.dma_semaphore, #tpu.memory_space<semaphore_mem>>) src(%dma_wait3A_129 : memref<4096x4096xf32, #tpu.memory_space<hbm>>) dst(%arg11 : memref<8x4096xf32, #tpu.memory_space<vmem>>)
      %mul3A_130 = arith.constant 8 : i32
      %mul3A_131 = arith.muli %add3A_112, %mul3A_130 : i32
      %add3A_132 = arith.addi %mul3A_2, %mul3A_131 : i32
      %dma_start3A_133 = arith.constant 0 : i32
      %dma_start3A_134 = tpu.memref_slice %arg5[%add3A_132, %dma_start3A_133] : memref<20480x4096xf32, #tpu.memory_space<hbm>> -> memref<8x4096xf32, #tpu.memory_space<hbm>>
      %dma_start3A_135 = arith.constant 0 : i32
      %dma_start3A_136 = tpu.memref_slice %arg5[%add3A_132, %dma_start3A_135] : memref<20480x4096xf32, #tpu.memory_space<hbm>> -> memref<8x4096xf32, #tpu.memory_space<hbm>>
      tpu.enqueue_dma source(%arg11 : memref<8x4096xf32, #tpu.memory_space<vmem>>) target(%dma_start3A_136 : memref<8x4096xf32, #tpu.memory_space<hbm>>) target_semaphore(%arg17 : memref<!tpu.dma_semaphore, #tpu.memory_space<semaphore_mem>>)
      %mul3A_137 = arith.constant 8 : i32
      %mul3A_138 = arith.muli %add3A_112, %mul3A_137 : i32
      %get3A_139 = arith.index_cast %mul3A_138 : i32 to index
      %get3A_140 = tpu.vector_load %arg8[%get3A_139] {strides = array<i32>} : memref<648xi32, #tpu.memory_space<vmem>>, vector<16xi32>,
      %gather3A_141 = tpu.vector_load_idx %arg11[%select_n3A, %get3A_140] masked %lt3A_8 : memref<8x4096xf32, #tpu.memory_space<vmem>>[vector<16xi32>, vector<16xi32>], vector<16xf32>, vector<16xi1>
      %jit3A_142 = arith.constant 0.000000e+00 : f32
      %broadcast_in_dim3A_143 = vector.broadcast %jit3A_142 : f32 to vector<16xf32>
      %select_n3A_144 = arith.select %lt3A_8, %gather3A_141, %broadcast_in_dim3A_143 : vector<16xi1>, vector<16xf32>
      %add3A_145 = arith.addf %add3A_108, %select_n3A_144 : vector<16xf32>
      %mul3A_146 = arith.constant 3 : i32
      %mul3A_147 = arith.muli %mul3A_146, %scan3A_73 : i32
      %add3A_148 = arith.constant 2 : i32
      %add3A_149 = arith.addi %mul3A_147, %add3A_148 : i32
      %ge3A_150 = arith.constant 2 : i32
      %ge3A_151 = arith.cmpi sge, %add3A_149, %ge3A_150 : i32
      %convert_element_type3A_152 = arith.extui %ge3A_151 : i1 to i32
      %cond3A_153 = arith.constant 0 : i32
      %cond3A_154 = arith.cmpi ne, %convert_element_type3A_152, %cond3A_153 : i32
      scf.if %cond3A_154 {
        %dma_wait3A_183 = arith.constant 0 : i32
        %dma_wait3A_184 = tpu.memref_slice %arg5[%mul3A_2, %dma_wait3A_183] : memref<20480x4096xf32, #tpu.memory_space<hbm>> -> memref<8x4096xf32, #tpu.memory_space<hbm>>
        %dma_wait3A_185 = arith.constant 0 : i32
        %dma_wait3A_186 = tpu.memref_slice %arg5[%mul3A_2, %dma_wait3A_185] : memref<20480x4096xf32, #tpu.memory_space<hbm>> -> memref<8x4096xf32, #tpu.memory_space<hbm>>
        tpu.wait_dma2 semaphore(%arg16 : memref<!tpu.dma_semaphore, #tpu.memory_space<semaphore_mem>>) src(%arg10 : memref<8x4096xf32, #tpu.memory_space<vmem>>) dst(%dma_wait3A_186 : memref<8x4096xf32, #tpu.memory_space<hbm>>)
      } else {
      }
      %add3A_155 = arith.constant 1 : i32
      %add3A_156 = arith.addi %add3A_149, %add3A_155 : i32
      %lt3A_157 = arith.constant 80 : i32
      %lt3A_158 = arith.cmpi slt, %add3A_156, %lt3A_157 : i32
      %convert_element_type3A_159 = arith.extui %lt3A_158 : i1 to i32
      %cond3A_160 = arith.constant 0 : i32
      %cond3A_161 = arith.cmpi ne, %convert_element_type3A_159, %cond3A_160 : i32
      scf.if %cond3A_161 {
        %add3A_183 = arith.constant 1 : i32
        %add3A_184 = arith.addi %add3A_149, %add3A_183 : i32
        %mul3A_185 = arith.constant 8 : i32
        %mul3A_186 = arith.muli %add3A_184, %mul3A_185 : i32
        %dma_start3A_187 = tpu.memref_slice %arg7[%mul3A_186] : memref<640xi32, #tpu.memory_space<vmem>> -> memref<8xi32, #tpu.memory_space<vmem>>
        %dma_start3A_188 = arith.constant 0 : i32
        %dma_start3A_189 = arith.constant 0 : i32
        %dma_start3A_190 = tpu.memref_slice %arg2[%dma_start3A_188, %dma_start3A_189] : memref<4096x4096xf32, #tpu.memory_space<hbm>> -> memref<4096x4096xf32, #tpu.memory_space<hbm>>
        tpu.enqueue_indirect_dma source(%dma_start3A_190 : memref<4096x4096xf32, #tpu.memory_space<hbm>>) target(%arg10 : memref<8x4096xf32, #tpu.memory_space<vmem>>) offsets(%dma_start3A_187 : memref<8xi32, #tpu.memory_space<vmem>>) semaphore(%arg13 : memref<!tpu.dma_semaphore, #tpu.memory_space<semaphore_mem>>)
      } else {
      }
      %dma_wait3A_162 = arith.constant 0 : i32
      %dma_wait3A_163 = tpu.memref_slice %arg7[%dma_wait3A_162] : memref<640xi32, #tpu.memory_space<vmem>> -> memref<8xi32, #tpu.memory_space<vmem>>
      %dma_wait3A_164 = arith.constant 0 : i32
      %dma_wait3A_165 = arith.constant 0 : i32
      %dma_wait3A_166 = tpu.memref_slice %arg2[%dma_wait3A_164, %dma_wait3A_165] : memref<4096x4096xf32, #tpu.memory_space<hbm>> -> memref<4096x4096xf32, #tpu.memory_space<hbm>>
      tpu.wait_indirect_dma semaphore(%arg15 : memref<!tpu.dma_semaphore, #tpu.memory_space<semaphore_mem>>) src(%dma_wait3A_166 : memref<4096x4096xf32, #tpu.memory_space<hbm>>) dst(%arg12 : memref<8x4096xf32, #tpu.memory_space<vmem>>)
      %mul3A_167 = arith.constant 8 : i32
      %mul3A_168 = arith.muli %add3A_149, %mul3A_167 : i32
      %add3A_169 = arith.addi %mul3A_2, %mul3A_168 : i32
      %dma_start3A_170 = arith.constant 0 : i32
      %dma_start3A_171 = tpu.memref_slice %arg5[%add3A_169, %dma_start3A_170] : memref<20480x4096xf32, #tpu.memory_space<hbm>> -> memref<8x4096xf32, #tpu.memory_space<hbm>>
      %dma_start3A_172 = arith.constant 0 : i32
      %dma_start3A_173 = tpu.memref_slice %arg5[%add3A_169, %dma_start3A_172] : memref<20480x4096xf32, #tpu.memory_space<hbm>> -> memref<8x4096xf32, #tpu.memory_space<hbm>>
      tpu.enqueue_dma source(%arg12 : memref<8x4096xf32, #tpu.memory_space<vmem>>) target(%dma_start3A_173 : memref<8x4096xf32, #tpu.memory_space<hbm>>) target_semaphore(%arg18 : memref<!tpu.dma_semaphore, #tpu.memory_space<semaphore_mem>>)
      %mul3A_174 = arith.constant 8 : i32
      %mul3A_175 = arith.muli %add3A_149, %mul3A_174 : i32
      %get3A_176 = arith.index_cast %mul3A_175 : i32 to index
      %get3A_177 = tpu.vector_load %arg8[%get3A_176] {strides = array<i32>} : memref<648xi32, #tpu.memory_space<vmem>>, vector<16xi32>,
      %gather3A_178 = tpu.vector_load_idx %arg12[%select_n3A, %get3A_177] masked %lt3A_8 : memref<8x4096xf32, #tpu.memory_space<vmem>>[vector<16xi32>, vector<16xi32>], vector<16xf32>, vector<16xi1>
      %jit3A_179 = arith.constant 0.000000e+00 : f32
      %broadcast_in_dim3A_180 = vector.broadcast %jit3A_179 : f32 to vector<16xf32>
      %select_n3A_181 = arith.select %lt3A_8, %gather3A_178, %broadcast_in_dim3A_180 : vector<16xi1>, vector<16xf32>
      %add3A_182 = arith.addf %add3A_145, %select_n3A_181 : vector<16xf32>
      scf.yield %add3A_182 : vector<16xf32>
    }
    %scan3A_15 = arith.constant 26 : i32
    %dma_wait3A = arith.constant 0 : i32
    %dma_wait3A_16 = tpu.memref_slice %arg5[%mul3A_2, %dma_wait3A] : memref<20480x4096xf32, #tpu.memory_space<hbm>> -> memref<8x4096xf32, #tpu.memory_space<hbm>>
    %dma_wait3A_17 = arith.constant 0 : i32
    %dma_wait3A_18 = tpu.memref_slice %arg5[%mul3A_2, %dma_wait3A_17] : memref<20480x4096xf32, #tpu.memory_space<hbm>> -> memref<8x4096xf32, #tpu.memory_space<hbm>>
    tpu.wait_dma2 semaphore(%arg17 : memref<!tpu.dma_semaphore, #tpu.memory_space<semaphore_mem>>) src(%arg11 : memref<8x4096xf32, #tpu.memory_space<vmem>>) dst(%dma_wait3A_18 : memref<8x4096xf32, #tpu.memory_space<hbm>>)
    %dma_start3A_19 = arith.constant 632 : i32
    %dma_start3A_20 = tpu.memref_slice %arg7[%dma_start3A_19] : memref<640xi32, #tpu.memory_space<vmem>> -> memref<8xi32, #tpu.memory_space<vmem>>
    %dma_start3A_21 = arith.constant 0 : i32
    %dma_start3A_22 = arith.constant 0 : i32
    %dma_start3A_23 = tpu.memref_slice %arg2[%dma_start3A_21, %dma_start3A_22] : memref<4096x4096xf32, #tpu.memory_space<hbm>> -> memref<4096x4096xf32, #tpu.memory_space<hbm>>
    tpu.enqueue_indirect_dma source(%dma_start3A_23 : memref<4096x4096xf32, #tpu.memory_space<hbm>>) target(%arg11 : memref<8x4096xf32, #tpu.memory_space<vmem>>) offsets(%dma_start3A_20 : memref<8xi32, #tpu.memory_space<vmem>>) semaphore(%arg14 : memref<!tpu.dma_semaphore, #tpu.memory_space<semaphore_mem>>)
    %dma_wait3A_24 = arith.constant 0 : i32
    %dma_wait3A_25 = tpu.memref_slice %arg7[%dma_wait3A_24] : memref<640xi32, #tpu.memory_space<vmem>> -> memref<8xi32, #tpu.memory_space<vmem>>
    %dma_wait3A_26 = arith.constant 0 : i32
    %dma_wait3A_27 = arith.constant 0 : i32
    %dma_wait3A_28 = tpu.memref_slice %arg2[%dma_wait3A_26, %dma_wait3A_27] : memref<4096x4096xf32, #tpu.memory_space<hbm>> -> memref<4096x4096xf32, #tpu.memory_space<hbm>>
    tpu.wait_indirect_dma semaphore(%arg13 : memref<!tpu.dma_semaphore, #tpu.memory_space<semaphore_mem>>) src(%dma_wait3A_28 : memref<4096x4096xf32, #tpu.memory_space<hbm>>) dst(%arg10 : memref<8x4096xf32, #tpu.memory_space<vmem>>)
    %add3A_29 = arith.constant 624 : i32
    %add3A_30 = arith.addi %mul3A_2, %add3A_29 : i32
    %dma_start3A_31 = arith.constant 0 : i32
    %dma_start3A_32 = tpu.memref_slice %arg5[%add3A_30, %dma_start3A_31] : memref<20480x4096xf32, #tpu.memory_space<hbm>> -> memref<8x4096xf32, #tpu.memory_space<hbm>>
    %dma_start3A_33 = arith.constant 0 : i32
    %dma_start3A_34 = tpu.memref_slice %arg5[%add3A_30, %dma_start3A_33] : memref<20480x4096xf32, #tpu.memory_space<hbm>> -> memref<8x4096xf32, #tpu.memory_space<hbm>>
    tpu.enqueue_dma source(%arg10 : memref<8x4096xf32, #tpu.memory_space<vmem>>) target(%dma_start3A_34 : memref<8x4096xf32, #tpu.memory_space<hbm>>) target_semaphore(%arg16 : memref<!tpu.dma_semaphore, #tpu.memory_space<semaphore_mem>>)
    %get3A = arith.constant 624 : index
    %get3A_35 = tpu.vector_load %arg8[%get3A] {strides = array<i32>} : memref<648xi32, #tpu.memory_space<vmem>>, vector<16xi32>,
    %gather3A = tpu.vector_load_idx %arg10[%select_n3A, %get3A_35] masked %lt3A_8 : memref<8x4096xf32, #tpu.memory_space<vmem>>[vector<16xi32>, vector<16xi32>], vector<16xf32>, vector<16xi1>
    %jit3A_36 = arith.constant 0.000000e+00 : f32
    %broadcast_in_dim3A_37 = vector.broadcast %jit3A_36 : f32 to vector<16xf32>
    %select_n3A_38 = arith.select %lt3A_8, %gather3A, %broadcast_in_dim3A_37 : vector<16xi1>, vector<16xf32>
    %add3A_39 = arith.addf %scan3A_14, %select_n3A_38 : vector<16xf32>
    %dma_wait3A_40 = arith.constant 0 : i32
    %dma_wait3A_41 = tpu.memref_slice %arg5[%mul3A_2, %dma_wait3A_40] : memref<20480x4096xf32, #tpu.memory_space<hbm>> -> memref<8x4096xf32, #tpu.memory_space<hbm>>
    %dma_wait3A_42 = arith.constant 0 : i32
    %dma_wait3A_43 = tpu.memref_slice %arg5[%mul3A_2, %dma_wait3A_42] : memref<20480x4096xf32, #tpu.memory_space<hbm>> -> memref<8x4096xf32, #tpu.memory_space<hbm>>
    tpu.wait_dma2 semaphore(%arg18 : memref<!tpu.dma_semaphore, #tpu.memory_space<semaphore_mem>>) src(%arg12 : memref<8x4096xf32, #tpu.memory_space<vmem>>) dst(%dma_wait3A_43 : memref<8x4096xf32, #tpu.memory_space<hbm>>)
    %dma_wait3A_44 = arith.constant 0 : i32
    %dma_wait3A_45 = tpu.memref_slice %arg7[%dma_wait3A_44] : memref<640xi32, #tpu.memory_space<vmem>> -> memref<8xi32, #tpu.memory_space<vmem>>
    %dma_wait3A_46 = arith.constant 0 : i32
    %dma_wait3A_47 = arith.constant 0 : i32
    %dma_wait3A_48 = tpu.memref_slice %arg2[%dma_wait3A_46, %dma_wait3A_47] : memref<4096x4096xf32, #tpu.memory_space<hbm>> -> memref<4096x4096xf32, #tpu.memory_space<hbm>>
    tpu.wait_indirect_dma semaphore(%arg14 : memref<!tpu.dma_semaphore, #tpu.memory_space<semaphore_mem>>) src(%dma_wait3A_48 : memref<4096x4096xf32, #tpu.memory_space<hbm>>) dst(%arg11 : memref<8x4096xf32, #tpu.memory_space<vmem>>)
    %add3A_49 = arith.constant 632 : i32
    %add3A_50 = arith.addi %mul3A_2, %add3A_49 : i32
    %dma_start3A_51 = arith.constant 0 : i32
    %dma_start3A_52 = tpu.memref_slice %arg5[%add3A_50, %dma_start3A_51] : memref<20480x4096xf32, #tpu.memory_space<hbm>> -> memref<8x4096xf32, #tpu.memory_space<hbm>>
    %dma_start3A_53 = arith.constant 0 : i32
    %dma_start3A_54 = tpu.memref_slice %arg5[%add3A_50, %dma_start3A_53] : memref<20480x4096xf32, #tpu.memory_space<hbm>> -> memref<8x4096xf32, #tpu.memory_space<hbm>>
    tpu.enqueue_dma source(%arg11 : memref<8x4096xf32, #tpu.memory_space<vmem>>) target(%dma_start3A_54 : memref<8x4096xf32, #tpu.memory_space<hbm>>) target_semaphore(%arg17 : memref<!tpu.dma_semaphore, #tpu.memory_space<semaphore_mem>>)
    %get3A_55 = arith.constant 632 : index
    %get3A_56 = tpu.vector_load %arg8[%get3A_55] {strides = array<i32>} : memref<648xi32, #tpu.memory_space<vmem>>, vector<16xi32>,
    %gather3A_57 = tpu.vector_load_idx %arg11[%select_n3A, %get3A_56] masked %lt3A_8 : memref<8x4096xf32, #tpu.memory_space<vmem>>[vector<16xi32>, vector<16xi32>], vector<16xf32>, vector<16xi1>
    %jit3A_58 = arith.constant 0.000000e+00 : f32
    %broadcast_in_dim3A_59 = vector.broadcast %jit3A_58 : f32 to vector<16xf32>
    %select_n3A_60 = arith.select %lt3A_8, %gather3A_57, %broadcast_in_dim3A_59 : vector<16xi1>, vector<16xf32>
    %add3A_61 = arith.addf %add3A_39, %select_n3A_60 : vector<16xf32>
    %dma_wait3A_62 = arith.constant 0 : i32
    %dma_wait3A_63 = tpu.memref_slice %arg5[%mul3A_2, %dma_wait3A_62] : memref<20480x4096xf32, #tpu.memory_space<hbm>> -> memref<8x4096xf32, #tpu.memory_space<hbm>>
    %dma_wait3A_64 = arith.constant 0 : i32
    %dma_wait3A_65 = tpu.memref_slice %arg5[%mul3A_2, %dma_wait3A_64] : memref<20480x4096xf32, #tpu.memory_space<hbm>> -> memref<8x4096xf32, #tpu.memory_space<hbm>>
    tpu.wait_dma2 semaphore(%arg16 : memref<!tpu.dma_semaphore, #tpu.memory_space<semaphore_mem>>) src(%arg10 : memref<8x4096xf32, #tpu.memory_space<vmem>>) dst(%dma_wait3A_65 : memref<8x4096xf32, #tpu.memory_space<hbm>>)
    %dma_wait3A_66 = arith.constant 0 : i32
    %dma_wait3A_67 = tpu.memref_slice %arg5[%mul3A_2, %dma_wait3A_66] : memref<20480x4096xf32, #tpu.memory_space<hbm>> -> memref<8x4096xf32, #tpu.memory_space<hbm>>
    %dma_wait3A_68 = arith.constant 0 : i32
    %dma_wait3A_69 = tpu.memref_slice %arg5[%mul3A_2, %dma_wait3A_68] : memref<20480x4096xf32, #tpu.memory_space<hbm>> -> memref<8x4096xf32, #tpu.memory_space<hbm>>
    tpu.wait_dma2 semaphore(%arg17 : memref<!tpu.dma_semaphore, #tpu.memory_space<semaphore_mem>>) src(%arg11 : memref<8x4096xf32, #tpu.memory_space<vmem>>) dst(%dma_wait3A_69 : memref<8x4096xf32, #tpu.memory_space<hbm>>)
    %swap3A = arith.constant 0 : index
    %swap3A_70 = tpu.vector_load %arg9[%swap3A] {strides = array<i32>} : memref<16xf32, #tpu.memory_space<vmem>>, vector<16xf32>,
    tpu.vector_store %arg9[%swap3A], %add3A_61 {strides = array<i32>} : memref<16xf32, #tpu.memory_space<vmem>>, vector<16xf32>,
    %mul3A_71 = arith.constant 16 : i32
    %mul3A_72 = arith.muli %add3A, %mul3A_71 : i32
    "tpu.region"() ({
      %run_scoped3A = tpu.sem_alloc : memref<!tpu.dma_semaphore, #tpu.memory_space<semaphore_mem>>
      %dma_start3A_73 = tpu.memref_slice %arg6[%mul3A_72] : memref<512xf32, #tpu.memory_space<hbm>> -> memref<16xf32, #tpu.memory_space<hbm>>
      %dma_start3A_74 = tpu.memref_slice %arg6[%mul3A_72] : memref<512xf32, #tpu.memory_space<hbm>> -> memref<16xf32, #tpu.memory_space<hbm>>
      tpu.enqueue_dma source(%arg9 : memref<16xf32, #tpu.memory_space<vmem>>) target(%dma_start3A_74 : memref<16xf32, #tpu.memory_space<hbm>>) target_semaphore(%run_scoped3A : memref<!tpu.dma_semaphore, #tpu.memory_space<semaphore_mem>>)
      %dma_wait3A_75 = tpu.memref_slice %arg6[%mul3A_72] : memref<512xf32, #tpu.memory_space<hbm>> -> memref<16xf32, #tpu.memory_space<hbm>>
      %dma_wait3A_76 = tpu.memref_slice %arg6[%mul3A_72] : memref<512xf32, #tpu.memory_space<hbm>> -> memref<16xf32, #tpu.memory_space<hbm>>
      tpu.wait_dma2 semaphore(%run_scoped3A : memref<!tpu.dma_semaphore, #tpu.memory_space<semaphore_mem>>) src(%arg9 : memref<16xf32, #tpu.memory_space<vmem>>) dst(%dma_wait3A_76 : memref<16xf32, #tpu.memory_space<hbm>>)
      tpu.yield
    }) : () -> ()
    return
  }
}

#map = affine_map<(d0, d1) -> (0)>
module attributes {stable_mosaic.version = 14 : i64} {
  func.func @_sc_lse_gather_body(%arg0: i32, %arg1: i32, %arg2: memref<4096xf32, #tpu.memory_space<hbm>>, %arg3: memref<20480xi32, #tpu.memory_space<hbm>>, %arg4: memref<512xf32, #tpu.memory_space<hbm>>, %arg5: memref<4096xf32, #tpu.memory_space<vmem>>, %arg6: memref<640xi32, #tpu.memory_space<vmem>>, %arg7: memref<16xf32, #tpu.memory_space<vmem>>) attributes {dimension_semantics = [#tpu.dimension_semantics<core_parallel>, #tpu.dimension_semantics<subcore_parallel>], iteration_bounds = array<i64: 2, 16>, scalar_prefetch = 0 : i64, scratch_operands = 3 : i64, tpu.core_type = #tpu.core_type<sc_vector_subcore>, window_params = [{transform_indices = #map}, {transform_indices = #map}, {transform_indices = #map}]} {
    %mul3A = arith.constant 2 : i32
    %mul3A_0 = arith.muli %arg1, %mul3A : i32
    %add3A = arith.addi %mul3A_0, %arg0 : i32
    %mul3A_1 = arith.constant 640 : i32
    %mul3A_2 = arith.muli %add3A, %mul3A_1 : i32
    "tpu.region"() ({
      %run_scoped3A = tpu.sem_alloc : memref<!tpu.dma_semaphore, #tpu.memory_space<semaphore_mem>>
      tpu.enqueue_dma source(%arg2 : memref<4096xf32, #tpu.memory_space<hbm>>) target(%arg5 : memref<4096xf32, #tpu.memory_space<vmem>>) target_semaphore(%run_scoped3A : memref<!tpu.dma_semaphore, #tpu.memory_space<semaphore_mem>>)
      tpu.wait_dma2 semaphore(%run_scoped3A : memref<!tpu.dma_semaphore, #tpu.memory_space<semaphore_mem>>) src(%arg2 : memref<4096xf32, #tpu.memory_space<hbm>>) dst(%arg5 : memref<4096xf32, #tpu.memory_space<vmem>>)
      tpu.yield
    }) : () -> ()
    "tpu.region"() ({
      %run_scoped3A = tpu.sem_alloc : memref<!tpu.dma_semaphore, #tpu.memory_space<semaphore_mem>>
      %dma_start3A = tpu.memref_slice %arg3[%mul3A_2] : memref<20480xi32, #tpu.memory_space<hbm>> -> memref<640xi32, #tpu.memory_space<hbm>>
      %dma_start3A_165 = tpu.memref_slice %arg3[%mul3A_2] : memref<20480xi32, #tpu.memory_space<hbm>> -> memref<640xi32, #tpu.memory_space<hbm>>
      tpu.enqueue_dma source(%dma_start3A_165 : memref<640xi32, #tpu.memory_space<hbm>>) target(%arg6 : memref<640xi32, #tpu.memory_space<vmem>>) target_semaphore(%run_scoped3A : memref<!tpu.dma_semaphore, #tpu.memory_space<semaphore_mem>>)
      %dma_wait3A = tpu.memref_slice %arg3[%mul3A_2] : memref<20480xi32, #tpu.memory_space<hbm>> -> memref<640xi32, #tpu.memory_space<hbm>>
      %dma_wait3A_166 = tpu.memref_slice %arg3[%mul3A_2] : memref<20480xi32, #tpu.memory_space<hbm>> -> memref<640xi32, #tpu.memory_space<hbm>>
      tpu.wait_dma2 semaphore(%run_scoped3A : memref<!tpu.dma_semaphore, #tpu.memory_space<semaphore_mem>>) src(%dma_wait3A_166 : memref<640xi32, #tpu.memory_space<hbm>>) dst(%arg6 : memref<640xi32, #tpu.memory_space<vmem>>)
      tpu.yield
    }) : () -> ()
    %broadcast_in_dim3A = arith.constant 0.000000e+00 : f32
    %broadcast_in_dim3A_3 = vector.broadcast %broadcast_in_dim3A : f32 to vector<16xf32>
    %get3A = arith.constant 0 : index
    %get3A_4 = tpu.vector_load %arg6[%get3A] {strides = array<i32>} : memref<640xi32, #tpu.memory_space<vmem>>, vector<16xi32>,
    %gather3A = tpu.vector_load_idx %arg5[%get3A_4] : memref<4096xf32, #tpu.memory_space<vmem>>[vector<16xi32>], vector<16xf32>,
    %add3A_5 = arith.addf %broadcast_in_dim3A_3, %gather3A : vector<16xf32>
    %get3A_6 = arith.constant 16 : index
    %get3A_7 = tpu.vector_load %arg6[%get3A_6] {strides = array<i32>} : memref<640xi32, #tpu.memory_space<vmem>>, vector<16xi32>,
    %gather3A_8 = tpu.vector_load_idx %arg5[%get3A_7] : memref<4096xf32, #tpu.memory_space<vmem>>[vector<16xi32>], vector<16xf32>,
    %add3A_9 = arith.addf %add3A_5, %gather3A_8 : vector<16xf32>
    %get3A_10 = arith.constant 32 : index
    %get3A_11 = tpu.vector_load %arg6[%get3A_10] {strides = array<i32>} : memref<640xi32, #tpu.memory_space<vmem>>, vector<16xi32>,
    %gather3A_12 = tpu.vector_load_idx %arg5[%get3A_11] : memref<4096xf32, #tpu.memory_space<vmem>>[vector<16xi32>], vector<16xf32>,
    %add3A_13 = arith.addf %add3A_9, %gather3A_12 : vector<16xf32>
    %get3A_14 = arith.constant 48 : index
    %get3A_15 = tpu.vector_load %arg6[%get3A_14] {strides = array<i32>} : memref<640xi32, #tpu.memory_space<vmem>>, vector<16xi32>,
    %gather3A_16 = tpu.vector_load_idx %arg5[%get3A_15] : memref<4096xf32, #tpu.memory_space<vmem>>[vector<16xi32>], vector<16xf32>,
    %add3A_17 = arith.addf %add3A_13, %gather3A_16 : vector<16xf32>
    %get3A_18 = arith.constant 64 : index
    %get3A_19 = tpu.vector_load %arg6[%get3A_18] {strides = array<i32>} : memref<640xi32, #tpu.memory_space<vmem>>, vector<16xi32>,
    %gather3A_20 = tpu.vector_load_idx %arg5[%get3A_19] : memref<4096xf32, #tpu.memory_space<vmem>>[vector<16xi32>], vector<16xf32>,
    %add3A_21 = arith.addf %add3A_17, %gather3A_20 : vector<16xf32>
    %get3A_22 = arith.constant 80 : index
    %get3A_23 = tpu.vector_load %arg6[%get3A_22] {strides = array<i32>} : memref<640xi32, #tpu.memory_space<vmem>>, vector<16xi32>,
    %gather3A_24 = tpu.vector_load_idx %arg5[%get3A_23] : memref<4096xf32, #tpu.memory_space<vmem>>[vector<16xi32>], vector<16xf32>,
    %add3A_25 = arith.addf %add3A_21, %gather3A_24 : vector<16xf32>
    %get3A_26 = arith.constant 96 : index
    %get3A_27 = tpu.vector_load %arg6[%get3A_26] {strides = array<i32>} : memref<640xi32, #tpu.memory_space<vmem>>, vector<16xi32>,
    %gather3A_28 = tpu.vector_load_idx %arg5[%get3A_27] : memref<4096xf32, #tpu.memory_space<vmem>>[vector<16xi32>], vector<16xf32>,
    %add3A_29 = arith.addf %add3A_25, %gather3A_28 : vector<16xf32>
    %get3A_30 = arith.constant 112 : index
    %get3A_31 = tpu.vector_load %arg6[%get3A_30] {strides = array<i32>} : memref<640xi32, #tpu.memory_space<vmem>>, vector<16xi32>,
    %gather3A_32 = tpu.vector_load_idx %arg5[%get3A_31] : memref<4096xf32, #tpu.memory_space<vmem>>[vector<16xi32>], vector<16xf32>,
    %add3A_33 = arith.addf %add3A_29, %gather3A_32 : vector<16xf32>
    %get3A_34 = arith.constant 128 : index
    %get3A_35 = tpu.vector_load %arg6[%get3A_34] {strides = array<i32>} : memref<640xi32, #tpu.memory_space<vmem>>, vector<16xi32>,
    %gather3A_36 = tpu.vector_load_idx %arg5[%get3A_35] : memref<4096xf32, #tpu.memory_space<vmem>>[vector<16xi32>], vector<16xf32>,
    %add3A_37 = arith.addf %add3A_33, %gather3A_36 : vector<16xf32>
    %get3A_38 = arith.constant 144 : index
    %get3A_39 = tpu.vector_load %arg6[%get3A_38] {strides = array<i32>} : memref<640xi32, #tpu.memory_space<vmem>>, vector<16xi32>,
    %gather3A_40 = tpu.vector_load_idx %arg5[%get3A_39] : memref<4096xf32, #tpu.memory_space<vmem>>[vector<16xi32>], vector<16xf32>,
    %add3A_41 = arith.addf %add3A_37, %gather3A_40 : vector<16xf32>
    %get3A_42 = arith.constant 160 : index
    %get3A_43 = tpu.vector_load %arg6[%get3A_42] {strides = array<i32>} : memref<640xi32, #tpu.memory_space<vmem>>, vector<16xi32>,
    %gather3A_44 = tpu.vector_load_idx %arg5[%get3A_43] : memref<4096xf32, #tpu.memory_space<vmem>>[vector<16xi32>], vector<16xf32>,
    %add3A_45 = arith.addf %add3A_41, %gather3A_44 : vector<16xf32>
    %get3A_46 = arith.constant 176 : index
    %get3A_47 = tpu.vector_load %arg6[%get3A_46] {strides = array<i32>} : memref<640xi32, #tpu.memory_space<vmem>>, vector<16xi32>,
    %gather3A_48 = tpu.vector_load_idx %arg5[%get3A_47] : memref<4096xf32, #tpu.memory_space<vmem>>[vector<16xi32>], vector<16xf32>,
    %add3A_49 = arith.addf %add3A_45, %gather3A_48 : vector<16xf32>
    %get3A_50 = arith.constant 192 : index
    %get3A_51 = tpu.vector_load %arg6[%get3A_50] {strides = array<i32>} : memref<640xi32, #tpu.memory_space<vmem>>, vector<16xi32>,
    %gather3A_52 = tpu.vector_load_idx %arg5[%get3A_51] : memref<4096xf32, #tpu.memory_space<vmem>>[vector<16xi32>], vector<16xf32>,
    %add3A_53 = arith.addf %add3A_49, %gather3A_52 : vector<16xf32>
    %get3A_54 = arith.constant 208 : index
    %get3A_55 = tpu.vector_load %arg6[%get3A_54] {strides = array<i32>} : memref<640xi32, #tpu.memory_space<vmem>>, vector<16xi32>,
    %gather3A_56 = tpu.vector_load_idx %arg5[%get3A_55] : memref<4096xf32, #tpu.memory_space<vmem>>[vector<16xi32>], vector<16xf32>,
    %add3A_57 = arith.addf %add3A_53, %gather3A_56 : vector<16xf32>
    %get3A_58 = arith.constant 224 : index
    %get3A_59 = tpu.vector_load %arg6[%get3A_58] {strides = array<i32>} : memref<640xi32, #tpu.memory_space<vmem>>, vector<16xi32>,
    %gather3A_60 = tpu.vector_load_idx %arg5[%get3A_59] : memref<4096xf32, #tpu.memory_space<vmem>>[vector<16xi32>], vector<16xf32>,
    %add3A_61 = arith.addf %add3A_57, %gather3A_60 : vector<16xf32>
    %get3A_62 = arith.constant 240 : index
    %get3A_63 = tpu.vector_load %arg6[%get3A_62] {strides = array<i32>} : memref<640xi32, #tpu.memory_space<vmem>>, vector<16xi32>,
    %gather3A_64 = tpu.vector_load_idx %arg5[%get3A_63] : memref<4096xf32, #tpu.memory_space<vmem>>[vector<16xi32>], vector<16xf32>,
    %add3A_65 = arith.addf %add3A_61, %gather3A_64 : vector<16xf32>
    %get3A_66 = arith.constant 256 : index
    %get3A_67 = tpu.vector_load %arg6[%get3A_66] {strides = array<i32>} : memref<640xi32, #tpu.memory_space<vmem>>, vector<16xi32>,
    %gather3A_68 = tpu.vector_load_idx %arg5[%get3A_67] : memref<4096xf32, #tpu.memory_space<vmem>>[vector<16xi32>], vector<16xf32>,
    %add3A_69 = arith.addf %add3A_65, %gather3A_68 : vector<16xf32>
    %get3A_70 = arith.constant 272 : index
    %get3A_71 = tpu.vector_load %arg6[%get3A_70] {strides = array<i32>} : memref<640xi32, #tpu.memory_space<vmem>>, vector<16xi32>,
    %gather3A_72 = tpu.vector_load_idx %arg5[%get3A_71] : memref<4096xf32, #tpu.memory_space<vmem>>[vector<16xi32>], vector<16xf32>,
    %add3A_73 = arith.addf %add3A_69, %gather3A_72 : vector<16xf32>
    %get3A_74 = arith.constant 288 : index
    %get3A_75 = tpu.vector_load %arg6[%get3A_74] {strides = array<i32>} : memref<640xi32, #tpu.memory_space<vmem>>, vector<16xi32>,
    %gather3A_76 = tpu.vector_load_idx %arg5[%get3A_75] : memref<4096xf32, #tpu.memory_space<vmem>>[vector<16xi32>], vector<16xf32>,
    %add3A_77 = arith.addf %add3A_73, %gather3A_76 : vector<16xf32>
    %get3A_78 = arith.constant 304 : index
    %get3A_79 = tpu.vector_load %arg6[%get3A_78] {strides = array<i32>} : memref<640xi32, #tpu.memory_space<vmem>>, vector<16xi32>,
    %gather3A_80 = tpu.vector_load_idx %arg5[%get3A_79] : memref<4096xf32, #tpu.memory_space<vmem>>[vector<16xi32>], vector<16xf32>,
    %add3A_81 = arith.addf %add3A_77, %gather3A_80 : vector<16xf32>
    %get3A_82 = arith.constant 320 : index
    %get3A_83 = tpu.vector_load %arg6[%get3A_82] {strides = array<i32>} : memref<640xi32, #tpu.memory_space<vmem>>, vector<16xi32>,
    %gather3A_84 = tpu.vector_load_idx %arg5[%get3A_83] : memref<4096xf32, #tpu.memory_space<vmem>>[vector<16xi32>], vector<16xf32>,
    %add3A_85 = arith.addf %add3A_81, %gather3A_84 : vector<16xf32>
    %get3A_86 = arith.constant 336 : index
    %get3A_87 = tpu.vector_load %arg6[%get3A_86] {strides = array<i32>} : memref<640xi32, #tpu.memory_space<vmem>>, vector<16xi32>,
    %gather3A_88 = tpu.vector_load_idx %arg5[%get3A_87] : memref<4096xf32, #tpu.memory_space<vmem>>[vector<16xi32>], vector<16xf32>,
    %add3A_89 = arith.addf %add3A_85, %gather3A_88 : vector<16xf32>
    %get3A_90 = arith.constant 352 : index
    %get3A_91 = tpu.vector_load %arg6[%get3A_90] {strides = array<i32>} : memref<640xi32, #tpu.memory_space<vmem>>, vector<16xi32>,
    %gather3A_92 = tpu.vector_load_idx %arg5[%get3A_91] : memref<4096xf32, #tpu.memory_space<vmem>>[vector<16xi32>], vector<16xf32>,
    %add3A_93 = arith.addf %add3A_89, %gather3A_92 : vector<16xf32>
    %get3A_94 = arith.constant 368 : index
    %get3A_95 = tpu.vector_load %arg6[%get3A_94] {strides = array<i32>} : memref<640xi32, #tpu.memory_space<vmem>>, vector<16xi32>,
    %gather3A_96 = tpu.vector_load_idx %arg5[%get3A_95] : memref<4096xf32, #tpu.memory_space<vmem>>[vector<16xi32>], vector<16xf32>,
    %add3A_97 = arith.addf %add3A_93, %gather3A_96 : vector<16xf32>
    %get3A_98 = arith.constant 384 : index
    %get3A_99 = tpu.vector_load %arg6[%get3A_98] {strides = array<i32>} : memref<640xi32, #tpu.memory_space<vmem>>, vector<16xi32>,
    %gather3A_100 = tpu.vector_load_idx %arg5[%get3A_99] : memref<4096xf32, #tpu.memory_space<vmem>>[vector<16xi32>], vector<16xf32>,
    %add3A_101 = arith.addf %add3A_97, %gather3A_100 : vector<16xf32>
    %get3A_102 = arith.constant 400 : index
    %get3A_103 = tpu.vector_load %arg6[%get3A_102] {strides = array<i32>} : memref<640xi32, #tpu.memory_space<vmem>>, vector<16xi32>,
    %gather3A_104 = tpu.vector_load_idx %arg5[%get3A_103] : memref<4096xf32, #tpu.memory_space<vmem>>[vector<16xi32>], vector<16xf32>,
    %add3A_105 = arith.addf %add3A_101, %gather3A_104 : vector<16xf32>
    %get3A_106 = arith.constant 416 : index
    %get3A_107 = tpu.vector_load %arg6[%get3A_106] {strides = array<i32>} : memref<640xi32, #tpu.memory_space<vmem>>, vector<16xi32>,
    %gather3A_108 = tpu.vector_load_idx %arg5[%get3A_107] : memref<4096xf32, #tpu.memory_space<vmem>>[vector<16xi32>], vector<16xf32>,
    %add3A_109 = arith.addf %add3A_105, %gather3A_108 : vector<16xf32>
    %get3A_110 = arith.constant 432 : index
    %get3A_111 = tpu.vector_load %arg6[%get3A_110] {strides = array<i32>} : memref<640xi32, #tpu.memory_space<vmem>>, vector<16xi32>,
    %gather3A_112 = tpu.vector_load_idx %arg5[%get3A_111] : memref<4096xf32, #tpu.memory_space<vmem>>[vector<16xi32>], vector<16xf32>,
    %add3A_113 = arith.addf %add3A_109, %gather3A_112 : vector<16xf32>
    %get3A_114 = arith.constant 448 : index
    %get3A_115 = tpu.vector_load %arg6[%get3A_114] {strides = array<i32>} : memref<640xi32, #tpu.memory_space<vmem>>, vector<16xi32>,
    %gather3A_116 = tpu.vector_load_idx %arg5[%get3A_115] : memref<4096xf32, #tpu.memory_space<vmem>>[vector<16xi32>], vector<16xf32>,
    %add3A_117 = arith.addf %add3A_113, %gather3A_116 : vector<16xf32>
    %get3A_118 = arith.constant 464 : index
    %get3A_119 = tpu.vector_load %arg6[%get3A_118] {strides = array<i32>} : memref<640xi32, #tpu.memory_space<vmem>>, vector<16xi32>,
    %gather3A_120 = tpu.vector_load_idx %arg5[%get3A_119] : memref<4096xf32, #tpu.memory_space<vmem>>[vector<16xi32>], vector<16xf32>,
    %add3A_121 = arith.addf %add3A_117, %gather3A_120 : vector<16xf32>
    %get3A_122 = arith.constant 480 : index
    %get3A_123 = tpu.vector_load %arg6[%get3A_122] {strides = array<i32>} : memref<640xi32, #tpu.memory_space<vmem>>, vector<16xi32>,
    %gather3A_124 = tpu.vector_load_idx %arg5[%get3A_123] : memref<4096xf32, #tpu.memory_space<vmem>>[vector<16xi32>], vector<16xf32>,
    %add3A_125 = arith.addf %add3A_121, %gather3A_124 : vector<16xf32>
    %get3A_126 = arith.constant 496 : index
    %get3A_127 = tpu.vector_load %arg6[%get3A_126] {strides = array<i32>} : memref<640xi32, #tpu.memory_space<vmem>>, vector<16xi32>,
    %gather3A_128 = tpu.vector_load_idx %arg5[%get3A_127] : memref<4096xf32, #tpu.memory_space<vmem>>[vector<16xi32>], vector<16xf32>,
    %add3A_129 = arith.addf %add3A_125, %gather3A_128 : vector<16xf32>
    %get3A_130 = arith.constant 512 : index
    %get3A_131 = tpu.vector_load %arg6[%get3A_130] {strides = array<i32>} : memref<640xi32, #tpu.memory_space<vmem>>, vector<16xi32>,
    %gather3A_132 = tpu.vector_load_idx %arg5[%get3A_131] : memref<4096xf32, #tpu.memory_space<vmem>>[vector<16xi32>], vector<16xf32>,
    %add3A_133 = arith.addf %add3A_129, %gather3A_132 : vector<16xf32>
    %get3A_134 = arith.constant 528 : index
    %get3A_135 = tpu.vector_load %arg6[%get3A_134] {strides = array<i32>} : memref<640xi32, #tpu.memory_space<vmem>>, vector<16xi32>,
    %gather3A_136 = tpu.vector_load_idx %arg5[%get3A_135] : memref<4096xf32, #tpu.memory_space<vmem>>[vector<16xi32>], vector<16xf32>,
    %add3A_137 = arith.addf %add3A_133, %gather3A_136 : vector<16xf32>
    %get3A_138 = arith.constant 544 : index
    %get3A_139 = tpu.vector_load %arg6[%get3A_138] {strides = array<i32>} : memref<640xi32, #tpu.memory_space<vmem>>, vector<16xi32>,
    %gather3A_140 = tpu.vector_load_idx %arg5[%get3A_139] : memref<4096xf32, #tpu.memory_space<vmem>>[vector<16xi32>], vector<16xf32>,
    %add3A_141 = arith.addf %add3A_137, %gather3A_140 : vector<16xf32>
    %get3A_142 = arith.constant 560 : index
    %get3A_143 = tpu.vector_load %arg6[%get3A_142] {strides = array<i32>} : memref<640xi32, #tpu.memory_space<vmem>>, vector<16xi32>,
    %gather3A_144 = tpu.vector_load_idx %arg5[%get3A_143] : memref<4096xf32, #tpu.memory_space<vmem>>[vector<16xi32>], vector<16xf32>,
    %add3A_145 = arith.addf %add3A_141, %gather3A_144 : vector<16xf32>
    %get3A_146 = arith.constant 576 : index
    %get3A_147 = tpu.vector_load %arg6[%get3A_146] {strides = array<i32>} : memref<640xi32, #tpu.memory_space<vmem>>, vector<16xi32>,
    %gather3A_148 = tpu.vector_load_idx %arg5[%get3A_147] : memref<4096xf32, #tpu.memory_space<vmem>>[vector<16xi32>], vector<16xf32>,
    %add3A_149 = arith.addf %add3A_145, %gather3A_148 : vector<16xf32>
    %get3A_150 = arith.constant 592 : index
    %get3A_151 = tpu.vector_load %arg6[%get3A_150] {strides = array<i32>} : memref<640xi32, #tpu.memory_space<vmem>>, vector<16xi32>,
    %gather3A_152 = tpu.vector_load_idx %arg5[%get3A_151] : memref<4096xf32, #tpu.memory_space<vmem>>[vector<16xi32>], vector<16xf32>,
    %add3A_153 = arith.addf %add3A_149, %gather3A_152 : vector<16xf32>
    %get3A_154 = arith.constant 608 : index
    %get3A_155 = tpu.vector_load %arg6[%get3A_154] {strides = array<i32>} : memref<640xi32, #tpu.memory_space<vmem>>, vector<16xi32>,
    %gather3A_156 = tpu.vector_load_idx %arg5[%get3A_155] : memref<4096xf32, #tpu.memory_space<vmem>>[vector<16xi32>], vector<16xf32>,
    %add3A_157 = arith.addf %add3A_153, %gather3A_156 : vector<16xf32>
    %get3A_158 = arith.constant 624 : index
    %get3A_159 = tpu.vector_load %arg6[%get3A_158] {strides = array<i32>} : memref<640xi32, #tpu.memory_space<vmem>>, vector<16xi32>,
    %gather3A_160 = tpu.vector_load_idx %arg5[%get3A_159] : memref<4096xf32, #tpu.memory_space<vmem>>[vector<16xi32>], vector<16xf32>,
    %add3A_161 = arith.addf %add3A_157, %gather3A_160 : vector<16xf32>
    %swap3A = arith.constant 0 : index
    %swap3A_162 = tpu.vector_load %arg7[%swap3A] {strides = array<i32>} : memref<16xf32, #tpu.memory_space<vmem>>, vector<16xf32>,
    tpu.vector_store %arg7[%swap3A], %add3A_161 {strides = array<i32>} : memref<16xf32, #tpu.memory_space<vmem>>, vector<16xf32>,
    %mul3A_163 = arith.constant 16 : i32
    %mul3A_164 = arith.muli %add3A, %mul3A_163 : i32
    "tpu.region"() ({
      %run_scoped3A = tpu.sem_alloc : memref<!tpu.dma_semaphore, #tpu.memory_space<semaphore_mem>>
      %dma_start3A = tpu.memref_slice %arg4[%mul3A_164] : memref<512xf32, #tpu.memory_space<hbm>> -> memref<16xf32, #tpu.memory_space<hbm>>
      %dma_start3A_165 = tpu.memref_slice %arg4[%mul3A_164] : memref<512xf32, #tpu.memory_space<hbm>> -> memref<16xf32, #tpu.memory_space<hbm>>
      tpu.enqueue_dma source(%arg7 : memref<16xf32, #tpu.memory_space<vmem>>) target(%dma_start3A_165 : memref<16xf32, #tpu.memory_space<hbm>>) target_semaphore(%run_scoped3A : memref<!tpu.dma_semaphore, #tpu.memory_space<semaphore_mem>>)
      %dma_wait3A = tpu.memref_slice %arg4[%mul3A_164] : memref<512xf32, #tpu.memory_space<hbm>> -> memref<16xf32, #tpu.memory_space<hbm>>
      %dma_wait3A_166 = tpu.memref_slice %arg4[%mul3A_164] : memref<512xf32, #tpu.memory_space<hbm>> -> memref<16xf32, #tpu.memory_space<hbm>>
      tpu.wait_dma2 semaphore(%run_scoped3A : memref<!tpu.dma_semaphore, #tpu.memory_space<semaphore_mem>>) src(%arg7 : memref<16xf32, #tpu.memory_space<vmem>>) dst(%dma_wait3A_166 : memref<16xf32, #tpu.memory_space<hbm>>)
      tpu.yield
    }) : () -> ()
    return
  }
}

module attributes {stable_mosaic.version = 14 : i64} {
  func.func @_tc_lse_body(%arg0: i32, %arg1: memref<256x4096xf32, #tpu.memory_space<vmem>>, %arg2: memref<256xf32, #tpu.memory_space<vmem>>) attributes {dimension_semantics = [#tpu.dimension_semantics<arbitrary>], iteration_bounds = array<i64: 16>, scalar_prefetch = 0 : i64, scratch_operands = 0 : i64, tpu.core_type = #tpu.core_type<tc>, window_params = [{transform_indices = @transform_0, window_bounds = array<i64: 256, 4096>}, {transform_indices = @transform_1, window_bounds = array<i64: 256>}]} {
    %get3A = arith.constant 0 : index
    %get3A_0 = arith.constant 0 : index
    %get3A_1 = vector.load %arg1[%get3A, %get3A_0] : memref<256x4096xf32, #tpu.memory_space<vmem>>, vector<256x4096xf32>
    %reduce_max3A = arith.constant dense<0xFF800000> : vector<256xf32>
    %reduce_max3A_2 = vector.multi_reduction <maximumf>, %get3A_1, %reduce_max3A [1] : vector<256x4096xf32> to vector<256xf32>
    %broadcast_in_dim3A = vector.shape_cast %reduce_max3A_2 : vector<256xf32> to vector<256x1xf32>
    %sub3A = vector.broadcast %broadcast_in_dim3A : vector<256x1xf32> to vector<256x4096xf32>
    %sub3A_3 = arith.subf %get3A_1, %sub3A : vector<256x4096xf32>
    %exp3A = math.exp %sub3A_3 : vector<256x4096xf32>
    %reduce_sum3A = arith.constant dense<0.000000e+00> : vector<256xf32>
    %reduce_sum3A_4 = vector.multi_reduction <add>, %exp3A, %reduce_sum3A [1] : vector<256x4096xf32> to vector<256xf32>
    %log3A = math.log %reduce_sum3A_4 : vector<256xf32>
    %add3A = arith.addf %log3A, %reduce_max3A_2 : vector<256xf32>
    %swap3A = arith.constant 0 : index
    %swap3A_5 = vector.load %arg2[%swap3A] : memref<256xf32, #tpu.memory_space<vmem>>, vector<256xf32>
    tpu.vector_store %arg2[%swap3A], %add3A {strides = array<i32>} : memref<256xf32, #tpu.memory_space<vmem>>, vector<256xf32>,
    return
  }
  func.func @transform_0(%arg0: i32) -> (i32, i32) {
    %c0_i32 = arith.constant 0 : i32
    %c0_i32_0 = arith.constant 0 : i32
    return %arg0, %c0_i32 : i32, i32
  }
  func.func @transform_1(%arg0: i32) -> i32 {
    %c0_i32 = arith.constant 0 : i32
    return %arg0 : i32
  }
}

module attributes {stable_mosaic.version = 14 : i64} {
  func.func @_tc_combine_body(%arg0: memref<512xf32, #tpu.memory_space<vmem>>, %arg1: memref<512xf32, #tpu.memory_space<vmem>>, %arg2: memref<1x1xf32, #tpu.memory_space<smem>>) attributes {dimension_semantics = [], scalar_prefetch = 0 : i64, scratch_operands = 0 : i64, tpu.core_type = #tpu.core_type<tc>} {
    %get3A = arith.constant 0 : index
    %get3A_0 = vector.load %arg0[%get3A] : memref<512xf32, #tpu.memory_space<vmem>>, vector<512xf32>
    %reduce_sum3A = vector.shape_cast %get3A_0 : vector<512xf32> to vector<1x512xf32>
    %reduce_sum3A_1 = arith.constant dense<0.000000e+00> : vector<1xf32>
    %reduce_sum3A_2 = vector.multi_reduction <add>, %reduce_sum3A, %reduce_sum3A_1 [1] : vector<1x512xf32> to vector<1xf32>
    %reduce_sum3A_3 = vector.shape_cast %reduce_sum3A_2 : vector<1xf32> to vector<1x1xf32>
    %reduce_sum3A_4 = vector.extract %reduce_sum3A_3[0, 0] : f32 from vector<1x1xf32>
    %get3A_5 = arith.constant 0 : index
    %get3A_6 = vector.load %arg1[%get3A_5] : memref<512xf32, #tpu.memory_space<vmem>>, vector<512xf32>
    %reduce_sum3A_7 = vector.shape_cast %get3A_6 : vector<512xf32> to vector<1x512xf32>
    %reduce_sum3A_8 = arith.constant dense<0.000000e+00> : vector<1xf32>
    %reduce_sum3A_9 = vector.multi_reduction <add>, %reduce_sum3A_7, %reduce_sum3A_8 [1] : vector<1x512xf32> to vector<1xf32>
    %reduce_sum3A_10 = vector.shape_cast %reduce_sum3A_9 : vector<1xf32> to vector<1x1xf32>
    %reduce_sum3A_11 = vector.extract %reduce_sum3A_10[0, 0] : f32 from vector<1x1xf32>
    %sub3A = arith.subf %reduce_sum3A_4, %reduce_sum3A_11 : f32
    %div3A = arith.constant 2.048000e+04 : f32
    %div3A_12 = arith.divf %sub3A, %div3A : f32
    %swap3A = arith.constant 0 : index
    %swap3A_13 = arith.constant 0 : index
    %swap3A_14 = memref.load %arg2[%swap3A, %swap3A_13] : memref<1x1xf32, #tpu.memory_space<smem>>
    memref.store %div3A_12, %arg2[%swap3A, %swap3A_13] : memref<1x1xf32, #tpu.memory_space<smem>>
    return
  }
}

</mosaic_0001>

<sc_bundles>
// kernel: kernel.6.cloned.1.call-start
scs
__scs_entry_jumppad:
0x0: {  	(pc) =	sbr.rel $0x88, $3  }
0x1: {  	(tag) =	ssettag $0x0;
	lr =	simm.s32 $0x1  }
0x2: {  	[smem:$0x3F9E] =	sst lr;
	_ =	strace $0xD0000000  }
0x3: {  	_ = 	snop  }
0x4: {  	_ = 	snop  }
0x5: {  	_ = 	snop  }
0x6: {  	_ = 	snop  }
0x7: {  	_ = 	snop  }
__scs_overlays_trampoline_lowered:
0x8: {  	[smem:$0x3FAD] =	sst s0  }
0x9: {  	[smem:$0x3FAE] =	sst s1  }
0xa: {  	[smem:$0x3FAF] =	sst s2  }
0xb: {  	[smem:$0x3FB0] =	sst s3  }
0xc: {  	[smem:$0x3FB1] =	sst s4  }
0xd: {  	[smem:$0x3FB2] =	sst s5  }
0xe: {  	[smem:$0x3FB3] =	sst s6  }
0xf: {  	[smem:$0x3FB4] =	sst s7  }
0x10: {  	[smem:$0x3FB5] =	sst s8  }
0x11: {  	[smem:$0x3FB6] =	sst s9;
	s0 =	simm.s32 @!p0 $0x0  }
0x12: {  	s1 =	sld [smem:$0x3F9C];
	s0 =	simm.s32 @p0 $0x1  }
0x13: {  	[smem:$0x3FB7] =	sst s0;
	s0 =	simm.s32 @!p1 $0x0  }
0x14: {  	s2 =	sld [smem:$0x3F9B];
	s0 =	simm.s32 @p1 $0x1  }
0x15: {  	[smem:$0x3FB8] =	sst s0;
	s0 =	simm.s32 @!p2 $0x0  }
0x16: {  	s3 =	sld [smem:$0x3FDB];
	s0 =	simm.s32 @p2 $0x1  }
0x17: {  	s4 =	simm.s32 $0x1BF5;
	[smem:$0x3FBA] =	sst s0  }
0x18: {  	s0 =	sld [smem:$0x3F9D];
	_ =	swait.ge [sflag:s4], $0x0  }
0x19: {  	s7 =	sld [smem:$0x3F9E]  }
0x1a: {  	s8 =	sadd.s32 $0xFFFFE003, lr  }
0x1b: {  	s9 =	sadd.s32 $0xFFFFFEF7, lr;
	s5 =	simm.s32 $0xFFFFFFFF;
	p2 =	slt.u32 s8, $0xFFFFF086  }
0x1c: {  	p1 =	slt.u32 s9, $0xF7A;
	s5 =	simm.s32 @!p2 $0x0  }
0x1d: {  	s5 =	simm.s32 @p1 $0x1;
	p0 =	seq.s32 s7, s2  }
0x1e: {  	s7 =	smul.u32 @!p0 $0xF7A, s2;
	p2 =	seq.s32 @!p0 s5, $0x0  }
0x1f: {  	s9 =	smul.u32 $0xF7A, s1;
	s8 =	simm.s32 @!p0 $0x1BF5;
	p2 =	por !p2, p0  }
0x20: {  	[sflag:s8] =	ssyncset.s32 @!p0 $0xFFFFF086;
	s6 =	sadd.s32 @!p0 s3, s7;
	s7 =	simm.s32 @!p0 $0x108  }
0x21: {  	s3 =	sadd.s32 s3, s9;
	s6 =	sadd.s32 @!p0 $0x88, s6;
	s7 =	simm.s32 @p2 $0x1082  }
0x22: {  	[simem:s7], [sflag:s8] =	dma.local @!p0 [hbm:s6], $0xF7A  }
0x23: {  	s9 =	sor.u32 $0xD0000000, s2;
	s6 =	simm.s32 $0x108;
	_ =	swait.ge @!p0 [sflag:s8], $0x0  }
0x24: {  	s3 =	sadd.s32 $0x88, s3;
	s6 =	simm.s32 @!p1 $0x1082;
	[sflag:s4] =	ssyncset.s32 $0xFFFFF086  }
0x25: {  	[simem:s6], [sflag:s4] =	dma.local [hbm:s3], $0xF7A  }
0x26: {  	[smem:$0x3F9E] =	sst s1;
	(tag) =	ssettag s2;
	_ =	strace s9  }
0x27: {  	s1 =	sld [smem:$0x3FAE]  }
0x28: {  	s2 =	sld [smem:$0x3FAF]  }
0x29: {  	s4 =	sld [smem:$0x3FB1]  }
0x2a: {  	p0 =	seq.s32 s5, $0x0;
	s5 =	sld [smem:$0x3FB2]  }
0x2b: {  	s6 =	sld [smem:$0x3FB3]  }
0x2c: {  	s7 =	sld [smem:$0x3FB4]  }
0x2d: {  	s3 =	simm.s32 $0x108;
	s8 =	sld [smem:$0x3FB5]  }
0x2e: {  	s3 =	simm.s32 @!p0 $0x1082;
	s9 =	sld [smem:$0x3FB6]  }
0x2f: {  	lr =	sadd.s32 s0, s3;
	s0 =	sld [smem:$0x3FAD]  }
0x30: {  	s3 =	sld [smem:$0x3FB0]  }
0x31: {  	[smem:$0x3FB9] =	sst s10  }
0x32: {  	s10 =	sld [smem:$0x3FB7];
	_ =	sdelay $0x3  }
0x33: {  	p0 =	seq.s32 s10, $0x1;
	s10 =	sld [smem:$0x3FB9];
	_ =	sdelay $0x3  }
0x34: {  	[smem:$0x3FB9] =	sst s10  }
0x35: {  	s10 =	sld [smem:$0x3FB8];
	_ =	sdelay $0x3  }
0x36: {  	p1 =	seq.s32 s10, $0x1;
	s10 =	sld [smem:$0x3FB9];
	_ =	sdelay $0x3  }
0x37: {  	[smem:$0x3FB9] =	sst s10  }
0x38: {  	s10 =	sld [smem:$0x3FBA]  }
0x39: {  	_ = 	snop;
	(pc) =	sbr.ind lr, $3  }
0x3a: {  	_ = 	snop  }
0x3b: {  	_ = 	snop  }
0x3c: {  	p2 =	seq.s32 s10, $0x1;
	s10 =	sld [smem:$0x3FB9]  }
0x3d: {  	_ =	shalt  }
0x3e: {  	_ =	shalt  }
0x3f: {  	_ =	shalt  }
0x40: {  	_ =	shalt  }
0x41: {  	_ =	shalt  }
0x42: {  	_ =	shalt  }
0x43: {  	_ =	shalt  }
0x44: {  	_ =	shalt  }
0x45: {  	_ =	shalt  }
0x46: {  	_ =	shalt  }
0x47: {  	_ =	shalt  }
0x48: {  	_ =	shalt  }
0x49: {  	_ =	shalt  }
0x4a: {  	_ =	shalt  }
0x4b: {  	_ =	shalt  }
0x4c: {  	_ =	shalt  }
0x4d: {  	_ =	shalt  }
0x4e: {  	_ =	shalt  }
0x4f: {  	_ =	shalt  }
0x50: {  	_ =	shalt  }
0x51: {  	_ =	shalt  }
0x52: {  	_ =	shalt  }
0x53: {  	_ =	shalt  }
0x54: {  	_ =	shalt  }
0x55: {  	_ =	shalt  }
0x56: {  	_ =	shalt  }
0x57: {  	_ =	shalt  }
0x58: {  	_ =	shalt  }
0x59: {  	_ =	shalt  }
0x5a: {  	_ =	shalt  }
0x5b: {  	_ =	shalt  }
0x5c: {  	_ =	shalt  }
0x5d: {  	_ =	shalt  }
0x5e: {  	_ =	shalt  }
0x5f: {  	_ =	shalt  }
0x60: {  	_ =	shalt  }
0x61: {  	_ =	shalt  }
0x62: {  	_ =	shalt  }
0x63: {  	_ =	shalt  }
0x64: {  	_ =	shalt  }
0x65: {  	_ =	shalt  }
0x66: {  	_ =	shalt  }
0x67: {  	_ =	shalt  }
0x68: {  	_ =	shalt  }
0x69: {  	_ =	shalt  }
0x6a: {  	_ =	shalt  }
0x6b: {  	_ =	shalt  }
0x6c: {  	_ =	shalt  }
0x6d: {  	_ =	shalt  }
0x6e: {  	_ =	shalt  }
0x6f: {  	_ =	shalt  }
0x70: {  	_ =	shalt  }
0x71: {  	_ =	shalt  }
0x72: {  	_ =	shalt  }
0x73: {  	_ =	shalt  }
0x74: {  	_ =	shalt  }
0x75: {  	_ =	shalt  }
0x76: {  	_ =	shalt  }
0x77: {  	_ =	shalt  }
0x78: {  	_ =	shalt  }
0x79: {  	_ =	shalt  }
0x7a: {  	_ =	shalt  }
0x7b: {  	_ =	shalt  }
0x7c: {  	_ =	shalt  }
0x7d: {  	_ =	shalt  }
0x7e: {  	_ =	shalt  }
0x7f: {  	_ =	shalt  }
0x80: {  	_ =	shalt  }
0x81: {  	_ =	shalt  }
0x82: {  	_ =	shalt  }
0x83: {  	_ =	shalt  }
0x84: {  	_ =	shalt  }
0x85: {  	_ =	shalt  }
0x86: {  	_ =	shalt  }
0x87: {  	_ =	shalt  }
.Lfunc_end0:
.L_simem_size_0:
called_computation.1_lowered:
.L_overlay_start_0:
0x88: {  	s2 =	sld [smem:$0x3FD9]  }
0x89: {  	s3 =	sld [smem:$0x3FFE];
	_ =	sdelay $0x1  }
0x8a: {  	s1 =	srdreg.scid  }
0x8b: {  	s0 =	sand.u32 $0x1, s1  }
0x8c: {  	s14 =	sshll.u32 s0, $0xA;
	s2 =	sadd.s32 s3, s2  }
0x8d: {  	s2 =	sadd.s32 s2, s14  }
0x8e: {  	[smem:$0x3FC5] =	sst s2  }
0x8f: {  	_ = 	snop  }
0x90: {  	s2 =	sld [smem:$0x3FD0];
	_ =	sdelay $0x2  }
0x91: {  	s4 =	simm.s32 $0xB;
	s5 =	simm.s32 $0x10;
	s15 =	sld [smem:$0x3FC7]  }
0x92: {  	[smem:s5], [sflag:s4] =	dma.local [hbm:s2], $0x1  }
0x93: {  	_ =	swait.eq [sflag:s4], $0x1  }
0x94: {  	[sflag:s4] =	ssyncset.done $0x0  }
0x95: {  	[sflag:s4] =	ssyncadd.s32 $0xFFFFFFFF  }
0x96: {  	s16 =	sld [smem:$0x10];
	(tm) =	ssettm $0x1  }
0x97: {  	s17 =	sld [smem:$0x3FFB];
	_ =	sdelay $0x3  }
0x98: {  	_ =	strace s17  }
0x99: {  	s4 =	sld [smem:$0x3FFC];
	_ =	sdelay $0x3  }
0x9a: {  	_ =	strace s4  }
0x9b: {  	s4 =	sld [smem:$0x3FFD];
	_ =	sdelay $0x3  }
0x9c: {  	_ =	strace s4  }
0x9d: {  	_ =	strace $0x8FFFFFFF  }
0x9e: {  	s18 =	sld [smem:$0x3FDB];
	_ =	sdelay $0x1  }
0x9f: {  	s19 =	simm.s32 $_scs_section_size  }
0xa0: {  	s6 =	simm.s32 $_size__tile_overlayer_lowered;
	s7 =	simm.s32 $_tile_overlayer_lowered  }
0xa1: {  	s22 =	simm.s32 $0x1BFF;
	s21 =	sshll.u32 s7, $0x1;
	s4 =	sadd.s32 s19, s18  }
0xa2: {  	s8 =	simm.s32 $0x0;
	s20 =	sshll.u32 s6, $0x1;
	s6 =	sadd.s32 s21, s4  }
0xa3: {  	[timem:s8], [sflag:s22] =	dma.local [hbm:s6], s20  }
0xa4: {  	_ =	swait.ge [sflag:s22], s20  }
0xa5: {  	s5 =	ssub.s32 $0x0, s20;
	[sflag:s22] =	ssyncset.done $0x0  }
0xa6: {  	[sflag:s22] =	ssyncadd.s32 s5;
	_ =	sdelay $0x1  }
0xa7: {  	s23 =	simm.s32 $0x1B8B  }
0xa8: {  	_ =	swait.ge [sflag:s23], $0x1  }
0xa9: {  	[sflag:s23] =	ssyncset.done $0x0  }
0xaa: {  	s25 =	simm.s32 $0x1B8E;
	s24 =	sld [smem:$0x3FFE];
	[sflag:s23] =	ssyncadd.s32 $0xFFFFFFFF  }
0xab: {  	s26 =	simm.s32 $execute0_lowered;
	[smem:$0x3FD2] =	sst s25  }
0xac: {  	s6 =	sshll.u32 s26, $0x1;
	_ =	strace $0x80000046;
	[dreg:$0x1] =	wrdreg $0xFFFFFFFF  }
0xad: {  	s28 =	simm.s32 $_size_execute0_lowered;
	s4 =	sadd.s32 s4, s6;
	[dreg:$0x0] =	wrdreg $0x0  }
0xae: {  	s6 =	sshll.u32 s28, $0x1;
	[dreg:$0x2] =	wrdreg s4  }
0xaf: {  	[dreg:$0x3] =	wrdreg s6  }
0xb0: {  	[dreg:$0x4] =	wrdreg $0xC0  }
0xb1: {  	_ =	task [dreg:s8], $0x5FFFF  }
0xb2: {  	[dreg:$0x1] =	wrdreg $0xFFFFFFFF  }
0xb3: {  	[dreg:$0x0] =	wrdreg $0x60  }
0xb4: {  	[dreg:$0x2] =	wrdreg s15  }
0xb5: {  	[dreg:$0x3] =	wrdreg s24  }
0xb6: {  	[dreg:$0x4] =	wrdreg s16  }
0xb7: {  	[dreg:$0x5] =	wrdreg $0xA  }
0xb8: {  	_ =	task.clear_ibuf [dreg:s8], $0x6FFFF;
	_ =	strace $0x90000046  }
0xb9: {  	s29 =	simm.s32 $0xA;
	_ =	strace $0x80000048  }
0xba: {  	_ =	swait.ge [sflag:s29], $0x1  }
0xbb: {  	[sflag:s29] =	ssyncadd.s32 $0xFFFFFFFF  }
0xbc: {  	_ =	strace $0x90000048  }
0xbd: {  	_ =	sfence  }
0xbe: {  	s30 =	sld [smem:$0x0];
	_ =	sdelay $0x2  }
0xbf: {  	s31 =	sshll.u32 s1, $0xD;
	s1 =	sshrl.u32 s1, $0x2  }
0xc0: {  	s3 =	sand.u32 $0x4000, s31;
	s1 =	sadd.s32 s1, s30  }
0xc1: {  	s0 =	sor.u32 s3, s0;
	s1 =	sshll.u32 s1, $0x11  }
0xc2: {  	s0 =	sor.u32 s1, s0  }
0xc3: {  	s0 =	sadd.s32 $0x8F2B, s0  }
0xc4: {  	[sflag:s0] =	ssyncadd.remote.s32 $0x1  }
0xc5: {  	_ =	sfence.sel $0xFFFF  }
0xc6: {  	[dreg:$0x0] =	wrdreg $0xFFFFFFFF;
	(pc) =	sbr.abs _section_cstart, $3  }
0xc7: {  	[dreg:$0x1] =	wrdreg $0xFFFFFFFF  }
0xc8: {  	_ =	task.clear_ibuf [dreg:s8], $0x2FFFF;
	_ =	strace $0x9FFFFFFF  }
0xc9: {  	(tm) =	ssettm $0x7FFFFFFF  }
tec
execute0_lowered:
.L_overlay_start_1:
0x0: {  	(tag) =	ssettag $0x1  }
0x1: {  	s1 =	rddreg [dreg:$0x0]  }
0x2: {  	s0 =	rddreg [dreg:$0x1]  }
0x3: {  	s2 =	srdreg.scid;
	s10 =	stileid.u32  }
0x4: {  	s4 =	rddreg [dreg:$0x2];
	s3 =	simm.s32 $0x0;
	s15 =	simm.s32 $0x10E00  }
0x5: {  	s16 =	simm.s32 $0x11600;
	s17 =	simm.s32 $0x11E00;
	s18 =	simm.s32 $0x12600  }
0x6: {  	s19 =	simm.s32 $0x12E00;
	s20 =	simm.s32 $0x13600;
	s22 =	simm.s32 $0x13E00  }
0x7: {  	s23 =	simm.s32 $0x14600;
	s24 =	simm.s32 $0x14E00;
	[smem:$0x7FF] =	sst s3  }
0x8: {  	s25 =	simm.s32 $0x15600;
	_ =	strace $0x80000047;
	[dreg:$0x5] =	wrdreg s15  }
0x9: {  	s26 =	simm.s32 $0x15E00;
	s28 =	simm.s32 $0x600;
	[dreg:$0x6] =	wrdreg s16  }
0xa: {  	s29 =	simm.s32 $0x1E00;
	s30 =	simm.s32 $0x2600;
	[dreg:$0x7] =	wrdreg s17  }
0xb: {  	s31 =	simm.s32 $0x8600;
	s2 =	sand.u32 $0x1, s2;
	[dreg:$0x8] =	wrdreg s18  }
0xc: {  	s5 =	sshll.u32 s10, $0x1;
	s10 =	smul.u32 $0xA0000, s10;
	[dreg:$0x9] =	wrdreg s19  }
0xd: {  	s11 =	sadd.s32 $0x600, s1;
	s13 =	sadd.s32 $0x800, s1;
	[dreg:$0xa] =	wrdreg s20  }
0xe: {  	s5 =	sor.u32 s2, s5;
	s7 =	ssub.s32 $0x2, s2;
	[dreg:$0xb] =	wrdreg s22  }
0xf: {  	s2 =	smul.u32 $0x50000, s2;
	s15 =	sadd.s32 $0xA00, s1;
	[dreg:$0xc] =	wrdreg s23  }
0x10: {  	s16 =	sadd.s32 $0xB00, s1;
	s17 =	sadd.s32 $0xC00, s1;
	[dreg:$0xd] =	wrdreg s24  }
0x11: {  	s18 =	sadd.s32 $0xD00, s1;
	s19 =	sadd.s32 $0xE00, s1;
	[dreg:$0xe] =	wrdreg s25  }
0x12: {  	s20 =	sadd.s32 $0xF00, s1;
	[dreg:$0xf] =	wrdreg s26;
	s22 =	simm.s32 $0x16600  }
0x13: {  	s23 =	simm.s32 $0x16E00;
	s24 =	simm.s32 $0x17600;
	s25 =	simm.s32 $0x17E00  }
0x14: {  	s6 =	smul.u32 $0x280, s5;
	s8 =	sshll.u32 s5, $0x1;
	[dreg:$0x10] =	wrdreg s22  }
0x15: {  	s9 =	sshrl.u32 s7, $0x1;
	s12 =	sadd.s32 s10, s4;
	[dreg:$0x11] =	wrdreg s23  }
0x16: {  	s10 =	sadd.s32 $0x500, s1;
	s5 =	smul.u32 $0x280000, s5;
	[dreg:$0x12] =	wrdreg s24  }
0x17: {  	[dreg:$0x13] =	wrdreg s25;
	s25 =	simm.s32 $0xE00;
	s22 =	simm.s32 $0x4  }
0x18: {  	s23 =	simm.s32 $0x3;
	s24 =	simm.s32 $0x0;
	s21 =	ssub.s32 s7, s9  }
0x19: {  	s7 =	sadd.s32 $0x200, s1;
	s9 =	sadd.s32 $0x400, s1;
	s2 =	sadd.s32 s2, s12  }
0x1a: {  	s12 =	sadd.s32 $0x700, s1;
	s6 =	sshrl.u32 s6, $0x3;
	[dreg:$0x4] =	wrdreg s2  }
0x1b: {  	v0 =	vimm.s32 $0x0;
	vm0 =	vcmask $0x704;
	s5 =	sshrl.u32 s5, $0x3;
	s26 =	smax.u32 s21, $0x1;
	s2 =	simm.s32 $0x7  }
0x1c: {  	v0 =	vsel vm0, $0x80, v0;
	vm0 =	vcmask $0xB08;
	s21 =	simm.s32 $0x2;
	s6 =	sadd.s32 s6, s0;
	s0 =	sadd.s32 s8, s0  }
0x1d: {  	v0 =	vsel vm0, $0x100, v0;
	vm0 =	vcmask $0xF0C;
	s8 =	sadd.s32 $0x300, s1;
	[dreg:$0x19] =	wrdreg s26;
	s14 =	sadd.s32 $0x1600, s6  }
0x1e: {  	v1 =	vlaneseq.u32;
	v2 =	vsel vm0, $0x180, v0;
	vm0 =	vcmask $0x1310;
	s4 =	sadd.s32 s4, s5;
	s6 =	sadd.s32 $0x2000, s6;
	[dreg:$0x14] =	wrdreg s14  }
0x1f: {  	vm2 =	vcmask $0x1F1C;
	v2 =	vsel vm0, $0x200, v2;
	vm0 =	vcmask $0x1714;
	s26 =	simm.s32 $0x1600;
	s5 =	sadd.s32 $0x4E000, s4;
	[dreg:$0x15] =	wrdreg s6  }
0x20: {  	vm1 =	vmmov $0xff;
	v2 =	vsel vm0, $0x280, v2;
	vm0 =	vcmask $0x1B18;
	s4 =	sadd.s32 $0x4F000, s4;
	s0 =	sadd.s32 $0x2C00, s0;
	[dreg:$0x16] =	wrdreg s5  }
0x21: {  	v0 =	vand.u32 $0x7, v1;
	v1 =	vshrl.u32 v1, $0x3;
	v2 =	vsel vm0, $0x300, v2;
	s6 =	sadd.s32 $0x100, s1;
	s14 =	sadd.s32 $0x900, s1;
	[dreg:$0x17] =	wrdreg s4  }
0x22: {  	v1 =	vmul.u32 $0x8, v1;
	vm0 =	vmmov $0xffff;
	v2 =	vsel vm2, $0x380, v2;
	[dreg:$0x18] =	wrdreg s0;
	s4 =	simm.s32 $0x1;
	s5 =	simm.s32 $0x10600  }
.LBB2_1:
0x23: {  	[dreg:$0x1a] =	wrdreg s24  }
0x24: {  	s0 =	rddreg [dreg:$0x14]  }
0x25: {  	[tilespmem:s3], [sflag:$0x7] =	stream.linear.gather [hbm4b:s0+s3], $0x280, $0x38;
	[tilespmem:$0x18600] =	vst v63  }
0x26: {  	_ =	swait.ge [sflag:s2], $0x280  }
0x27: {  	[sflag:s2] =	ssyncset.done $0x0  }
0x28: {  	s24 =	simm.s32 $0x280;
	s0 =	rddreg [dreg:$0x15];
	[sflag:s2] =	ssyncadd.s32 $0xFFFFFD80  }
0x29: {  	[tilespmem:s24], [sflag:$0x7] =	stream.linear.gather [hbm4b:s0+s3], $0x288, $0x38;
	[tilespmem:$0x18600] =	vst v63  }
0x2a: {  	_ =	swait.ge [sflag:s2], $0x288  }
0x2b: {  	[sflag:s2] =	ssyncset.done $0x0  }
0x2c: {  	[sflag:s2] =	ssyncadd.s32 $0xFFFFFD78  }
0x2d: {  	v3 =	vld.msk [tilespmem:$0x0], $0xff;
	_ =	sdelay $0x4  }
0x2e: {  	v4 =	vshll.u32 v3, $0x5  }
0x2f: {  	v3 =	vand.u32 $0x7, v3;
	v4 =	vand.u32 $0xFFFFFF00, v4  }
0x30: {  	v3 =	vor.u32 v3, v4  }
0x31: {  	v3 =	vperm.xlane v3, v0;
	_ =	sdelay $0x1  }
0x32: {  	v3 =	vadd.s32 v1, v3;
	_ =	sdelay $0x4  }
0x33: {  	[tilespmem:s28], [sflag:$0x1] =	stream.indirect_vreg.gather [hbm4b:s1+s3], $0x80, v3, vm0, $0xb8;
	[tilespmem:$0x18600] =	vst v63  }
0x34: {  	_ = 	snop  }
0x35: {  	[tilespmem:s25], [sflag:$0x1] =	stream.indirect_vreg.gather [hbm4b:s6+s3], $0x80, v3, vm0, $0xb8;
	[tilespmem:$0x18600] =	vst v63  }
0x36: {  	_ = 	snop  }
0x37: {  	[tilespmem:s26], [sflag:$0x1] =	stream.indirect_vreg.gather [hbm4b:s7+s3], $0x80, v3, vm0, $0xb8;
	[tilespmem:$0x18600] =	vst v63  }
0x38: {  	_ = 	snop  }
0x39: {  	[tilespmem:s29], [sflag:$0x1] =	stream.indirect_vreg.gather [hbm4b:s8+s3], $0x80, v3, vm0, $0xb8;
	[tilespmem:$0x18600] =	vst v63  }
0x3a: {  	_ = 	snop  }
0x3b: {  	[tilespmem:s30], [sflag:$0x1] =	stream.indirect_vreg.gather [hbm4b:s9+s3], $0x80, v3, vm0, $0xb8;
	[tilespmem:$0x18600] =	vst v63  }
0x3c: {  	s2 =	simm.s32 $0x2E00  }
0x3d: {  	[tilespmem:s2], [sflag:$0x1] =	stream.indirect_vreg.gather [hbm4b:s10+s3], $0x80, v3, vm0, $0xb8;
	[tilespmem:$0x18600] =	vst v63  }
0x3e: {  	s24 =	simm.s32 $0x3600  }
0x3f: {  	[tilespmem:s24], [sflag:$0x1] =	stream.indirect_vreg.gather [hbm4b:s11+s3], $0x80, v3, vm0, $0xb8;
	[tilespmem:$0x18600] =	vst v63  }
0x40: {  	s25 =	simm.s32 $0x3E00  }
0x41: {  	[tilespmem:s25], [sflag:$0x1] =	stream.indirect_vreg.gather [hbm4b:s12+s3], $0x80, v3, vm0, $0xb8;
	[tilespmem:$0x18600] =	vst v63  }
0x42: {  	s26 =	simm.s32 $0x4600  }
0x43: {  	[tilespmem:s26], [sflag:$0x1] =	stream.indirect_vreg.gather [hbm4b:s13+s3], $0x80, v3, vm0, $0xb8;
	[tilespmem:$0x18600] =	vst v63  }
0x44: {  	s30 =	simm.s32 $0x4E00  }
0x45: {  	[tilespmem:s30], [sflag:$0x1] =	stream.indirect_vreg.gather [hbm4b:s14+s3], $0x80, v3, vm0, $0xb8;
	[tilespmem:$0x18600] =	vst v63  }
0x46: {  	s2 =	simm.s32 $0x5600  }
0x47: {  	[tilespmem:s2], [sflag:$0x1] =	stream.indirect_vreg.gather [hbm4b:s15+s3], $0x80, v3, vm0, $0xb8;
	[tilespmem:$0x18600] =	vst v63  }
0x48: {  	s24 =	simm.s32 $0x5E00  }
0x49: {  	[tilespmem:s24], [sflag:$0x1] =	stream.indirect_vreg.gather [hbm4b:s16+s3], $0x80, v3, vm0, $0xb8;
	[tilespmem:$0x18600] =	vst v63  }
0x4a: {  	s25 =	simm.s32 $0x6600  }
0x4b: {  	[tilespmem:s25], [sflag:$0x1] =	stream.indirect_vreg.gather [hbm4b:s17+s3], $0x80, v3, vm0, $0xb8;
	[tilespmem:$0x18600] =	vst v63  }
0x4c: {  	s26 =	simm.s32 $0x6E00  }
0x4d: {  	[tilespmem:s26], [sflag:$0x1] =	stream.indirect_vreg.gather [hbm4b:s18+s3], $0x80, v3, vm0, $0xb8;
	[tilespmem:$0x18600] =	vst v63  }
0x4e: {  	s29 =	simm.s32 $0x0;
	s30 =	simm.s32 $0x7600  }
0x4f: {  	[tilespmem:s30], [sflag:$0x1] =	stream.indirect_vreg.gather [hbm4b:s19+s3], $0x80, v3, vm0, $0xb8;
	[tilespmem:$0x18600] =	vst v63  }
0x50: {  	s24 =	simm.s32 $0x10;
	s25 =	simm.s32 $0x288;
	s26 =	simm.s32 $0x7E00  }
0x51: {  	[tilespmem:s26], [sflag:$0x1] =	stream.indirect_vreg.gather [hbm4b:s20+s3], $0x80, v3, vm0, $0xb8;
	v3 =	vimm.f32 $0.0e+00;
	[tilespmem:$0x18600] =	vst v63  }
.LBB2_2:
0x52: {  	p0 =	seq.s32 s29, $0x0  }
0x53: {  	s30 =	simm.s32 @!p0 $0x5  }
0x54: {  	_ =	swait.ge @!p0 [sflag:s30], $0x8000  }
0x55: {  	[sflag:s30] =	ssyncset.done @!p0 $0x0  }
0x56: {  	[sflag:s30] =	ssyncadd.s32 @!p0 $0xFFFF8000  }
0x57: {  	v4 =	vld.msk [tilespmem:s24+$0xFFFFFFF8], $0xff;
	_ =	sdelay $0x4  }
0x58: {  	v5 =	vshll.u32 v4, $0x5  }
0x59: {  	v4 =	vand.u32 $0x7, v4;
	v5 =	vand.u32 $0xFFFFFF00, v5  }
0x5a: {  	v4 =	vor.u32 v4, v5  }
0x5b: {  	v4 =	vperm.xlane v4, v0;
	_ =	sdelay $0x1  }
0x5c: {  	v4 =	vadd.s32 v1, v4;
	_ =	sdelay $0x4  }
0x5d: {  	[tilespmem:s31], [sflag:$0x2] =	stream.indirect_vreg.gather [hbm4b:s1+s3], $0x80, v4, vm0, $0xb8;
	[tilespmem:$0x18600] =	vst v63  }
0x5e: {  	s0 =	simm.s32 $0x8E00  }
0x5f: {  	[tilespmem:s0], [sflag:$0x2] =	stream.indirect_vreg.gather [hbm4b:s6+s3], $0x80, v4, vm0, $0xb8;
	[tilespmem:$0x18600] =	vst v63  }
0x60: {  	s2 =	simm.s32 $0x9600  }
0x61: {  	[tilespmem:s2], [sflag:$0x2] =	stream.indirect_vreg.gather [hbm4b:s7+s3], $0x80, v4, vm0, $0xb8;
	[tilespmem:$0x18600] =	vst v63  }
0x62: {  	s30 =	simm.s32 $0x9E00  }
0x63: {  	[tilespmem:s30], [sflag:$0x2] =	stream.indirect_vreg.gather [hbm4b:s8+s3], $0x80, v4, vm0, $0xb8;
	[tilespmem:$0x18600] =	vst v63  }
0x64: {  	s2 =	simm.s32 $0xA600  }
0x65: {  	[tilespmem:s2], [sflag:$0x2] =	stream.indirect_vreg.gather [hbm4b:s9+s3], $0x80, v4, vm0, $0xb8;
	[tilespmem:$0x18600] =	vst v63  }
0x66: {  	s30 =	simm.s32 $0xAE00  }
0x67: {  	[tilespmem:s30], [sflag:$0x2] =	stream.indirect_vreg.gather [hbm4b:s10+s3], $0x80, v4, vm0, $0xb8;
	[tilespmem:$0x18600] =	vst v63  }
0x68: {  	s2 =	simm.s32 $0xB600  }
0x69: {  	[tilespmem:s2], [sflag:$0x2] =	stream.indirect_vreg.gather [hbm4b:s11+s3], $0x80, v4, vm0, $0xb8;
	[tilespmem:$0x18600] =	vst v63  }
0x6a: {  	s30 =	simm.s32 $0xBE00  }
0x6b: {  	[tilespmem:s30], [sflag:$0x2] =	stream.indirect_vreg.gather [hbm4b:s12+s3], $0x80, v4, vm0, $0xb8;
	[tilespmem:$0x18600] =	vst v63  }
0x6c: {  	s2 =	simm.s32 $0xC600  }
0x6d: {  	[tilespmem:s2], [sflag:$0x2] =	stream.indirect_vreg.gather [hbm4b:s13+s3], $0x80, v4, vm0, $0xb8;
	[tilespmem:$0x18600] =	vst v63  }
0x6e: {  	s30 =	simm.s32 $0xCE00  }
0x6f: {  	[tilespmem:s30], [sflag:$0x2] =	stream.indirect_vreg.gather [hbm4b:s14+s3], $0x80, v4, vm0, $0xb8;
	[tilespmem:$0x18600] =	vst v63  }
0x70: {  	s2 =	simm.s32 $0xD600  }
0x71: {  	[tilespmem:s2], [sflag:$0x2] =	stream.indirect_vreg.gather [hbm4b:s15+s3], $0x80, v4, vm0, $0xb8;
	[tilespmem:$0x18600] =	vst v63  }
0x72: {  	s30 =	simm.s32 $0xDE00  }
0x73: {  	[tilespmem:s30], [sflag:$0x2] =	stream.indirect_vreg.gather [hbm4b:s16+s3], $0x80, v4, vm0, $0xb8;
	[tilespmem:$0x18600] =	vst v63  }
0x74: {  	s2 =	simm.s32 $0xE600  }
0x75: {  	[tilespmem:s2], [sflag:$0x2] =	stream.indirect_vreg.gather [hbm4b:s17+s3], $0x80, v4, vm0, $0xb8;
	[tilespmem:$0x18600] =	vst v63  }
0x76: {  	s30 =	simm.s32 $0xEE00  }
0x77: {  	[tilespmem:s30], [sflag:$0x2] =	stream.indirect_vreg.gather [hbm4b:s18+s3], $0x80, v4, vm0, $0xb8;
	[tilespmem:$0x18600] =	vst v63  }
0x78: {  	s2 =	simm.s32 $0xF600  }
0x79: {  	[tilespmem:s2], [sflag:$0x2] =	stream.indirect_vreg.gather [hbm4b:s19+s3], $0x80, v4, vm0, $0xb8;
	[tilespmem:$0x18600] =	vst v63  }
0x7a: {  	s30 =	simm.s32 $0xFE00  }
0x7b: {  	[tilespmem:s30], [sflag:$0x2] =	stream.indirect_vreg.gather [hbm4b:s20+s3], $0x80, v4, vm0, $0xb8;
	[tilespmem:$0x18600] =	vst v63  }
0x7c: {  	_ =	swait.ge [sflag:s4], $0x8000  }
0x7d: {  	s0 =	rddreg [dreg:$0x4];
	[sflag:s4] =	ssyncset.done $0x0  }
0x7e: {  	[sflag:s4] =	ssyncadd.s32 $0xFFFF8000;
	s30 =	sadd.s32 s29, s0  }
0x7f: {  	[hbm4b:s30+s3] =	stream.linear.scatter [tilespmem:s28], [sflag:$0x4], $0x8000, $0x38;
	[tilespmem:$0x18600] =	vst v63  }
0x80: {  	v4 =	vld [tilespmem:s25+$0xFFFFFFF8];
	_ =	sdelay $0x4  }
0x81: {  	v5 =	vshll.u32 v4, $0x3  }
0x82: {  	v4 =	vand.u32 $0x7F, v4;
	v5 =	vand.u32 $0xFFFFFC00, v5  }
0x83: {  	v4 =	vor.u32 v5, v4  }
0x84: {  	v4 =	vor.u32 v2, v4;
	_ =	sdelay $0x3  }
0x85: {  	s2 =	simm.s32 @!p0 $0x6  }
0x86: {  	v4 =	vld.idx.msk [tilespmem:v4+s28+$0x0], $0xff;
	_ =	swait.ge @!p0 [sflag:s2], $0x8000  }
0x87: {  	[sflag:s2] =	ssyncset.done @!p0 $0x0  }
0x88: {  	[sflag:s2] =	ssyncadd.s32 @!p0 $0xFFFF8000  }
0x89: {  	v5 =	vld.msk [tilespmem:s24+$0x0], $0xff;
	_ =	sdelay $0x4  }
0x8a: {  	v6 =	vshll.u32 v5, $0x5  }
0x8b: {  	v5 =	vand.u32 $0x7, v5;
	v6 =	vand.u32 $0xFFFFFF00, v6  }
0x8c: {  	v5 =	vor.u32 v5, v6  }
0x8d: {  	v5 =	vperm.xlane v5, v0;
	_ =	sdelay $0x1  }
0x8e: {  	v5 =	vadd.s32 v1, v5;
	_ =	sdelay $0x4  }
0x8f: {  	[tilespmem:s5], [sflag:$0x3] =	stream.indirect_vreg.gather [hbm4b:s1+s3], $0x80, v5, vm0, $0xb8;
	[tilespmem:$0x18600] =	vst v63  }
0x90: {  	s2 =	rddreg [dreg:$0x5]  }
0x91: {  	[tilespmem:s2], [sflag:$0x3] =	stream.indirect_vreg.gather [hbm4b:s6+s3], $0x80, v5, vm0, $0xb8;
	[tilespmem:$0x18600] =	vst v63  }
0x92: {  	s0 =	rddreg [dreg:$0x6]  }
0x93: {  	[tilespmem:s0], [sflag:$0x3] =	stream.indirect_vreg.gather [hbm4b:s7+s3], $0x80, v5, vm0, $0xb8;
	[tilespmem:$0x18600] =	vst v63  }
0x94: {  	s2 =	rddreg [dreg:$0x7]  }
0x95: {  	[tilespmem:s2], [sflag:$0x3] =	stream.indirect_vreg.gather [hbm4b:s8+s3], $0x80, v5, vm0, $0xb8;
	[tilespmem:$0x18600] =	vst v63  }
0x96: {  	s0 =	rddreg [dreg:$0x8]  }
0x97: {  	[tilespmem:s0], [sflag:$0x3] =	stream.indirect_vreg.gather [hbm4b:s9+s3], $0x80, v5, vm0, $0xb8;
	[tilespmem:$0x18600] =	vst v63  }
0x98: {  	s2 =	rddreg [dreg:$0x9]  }
0x99: {  	[tilespmem:s2], [sflag:$0x3] =	stream.indirect_vreg.gather [hbm4b:s10+s3], $0x80, v5, vm0, $0xb8;
	[tilespmem:$0x18600] =	vst v63  }
0x9a: {  	s0 =	rddreg [dreg:$0xa]  }
0x9b: {  	[tilespmem:s0], [sflag:$0x3] =	stream.indirect_vreg.gather [hbm4b:s11+s3], $0x80, v5, vm0, $0xb8;
	[tilespmem:$0x18600] =	vst v63  }
0x9c: {  	s2 =	rddreg [dreg:$0xb]  }
0x9d: {  	[tilespmem:s2], [sflag:$0x3] =	stream.indirect_vreg.gather [hbm4b:s12+s3], $0x80, v5, vm0, $0xb8;
	[tilespmem:$0x18600] =	vst v63  }
0x9e: {  	s0 =	rddreg [dreg:$0xc]  }
0x9f: {  	[tilespmem:s0], [sflag:$0x3] =	stream.indirect_vreg.gather [hbm4b:s13+s3], $0x80, v5, vm0, $0xb8;
	[tilespmem:$0x18600] =	vst v63  }
0xa0: {  	s2 =	rddreg [dreg:$0xd]  }
0xa1: {  	[tilespmem:s2], [sflag:$0x3] =	stream.indirect_vreg.gather [hbm4b:s14+s3], $0x80, v5, vm0, $0xb8;
	[tilespmem:$0x18600] =	vst v63  }
0xa2: {  	s0 =	rddreg [dreg:$0xe]  }
0xa3: {  	[tilespmem:s0], [sflag:$0x3] =	stream.indirect_vreg.gather [hbm4b:s15+s3], $0x80, v5, vm0, $0xb8;
	[tilespmem:$0x18600] =	vst v63  }
0xa4: {  	s2 =	rddreg [dreg:$0xf]  }
0xa5: {  	[tilespmem:s2], [sflag:$0x3] =	stream.indirect_vreg.gather [hbm4b:s16+s3], $0x80, v5, vm0, $0xb8;
	[tilespmem:$0x18600] =	vst v63  }
0xa6: {  	s0 =	rddreg [dreg:$0x10]  }
0xa7: {  	[tilespmem:s0], [sflag:$0x3] =	stream.indirect_vreg.gather [hbm4b:s17+s3], $0x80, v5, vm0, $0xb8;
	[tilespmem:$0x18600] =	vst v63  }
0xa8: {  	s2 =	rddreg [dreg:$0x11]  }
0xa9: {  	[tilespmem:s2], [sflag:$0x3] =	stream.indirect_vreg.gather [hbm4b:s18+s3], $0x80, v5, vm0, $0xb8;
	[tilespmem:$0x18600] =	vst v63  }
0xaa: {  	s0 =	rddreg [dreg:$0x12]  }
0xab: {  	[tilespmem:s0], [sflag:$0x3] =	stream.indirect_vreg.gather [hbm4b:s19+s3], $0x80, v5, vm0, $0xb8;
	[tilespmem:$0x18600] =	vst v63  }
0xac: {  	s2 =	rddreg [dreg:$0x13]  }
0xad: {  	[tilespmem:s2], [sflag:$0x3] =	stream.indirect_vreg.gather [hbm4b:s20+s3], $0x80, v5, vm0, $0xb8;
	[tilespmem:$0x18600] =	vst v63  }
0xae: {  	_ =	swait.ge [sflag:s21], $0x8000  }
0xaf: {  	[sflag:s21] =	ssyncset.done $0x0  }
0xb0: {  	s2 =	sadd.s32 $0x1000, s30;
	[sflag:s21] =	ssyncadd.s32 $0xFFFF8000  }
0xb1: {  	[hbm4b:s2+s3] =	stream.linear.scatter [tilespmem:s31], [sflag:$0x5], $0x8000, $0x38;
	[tilespmem:$0x18600] =	vst v63  }
0xb2: {  	v5 =	vld [tilespmem:s25+$0x0];
	_ =	sdelay $0x4  }
0xb3: {  	v60 =	vshll.u32 v5, $0x3  }
0xb4: {  	v5 =	vand.u32 $0x7F, v5;
	v6 =	vand.u32 $0xFFFFFC00, v60  }
0xb5: {  	v5 =	vor.u32 v6, v5  }
0xb6: {  	v5 =	vor.u32 v2, v5;
	_ =	sdelay $0x4  }
0xb7: {  	v5 =	vld.idx.msk [tilespmem:v5+s31+$0x0], $0xff;
	_ =	swait.ge [sflag:s22], $0x8000  }
0xb8: {  	[sflag:s22] =	ssyncset.done $0x0  }
0xb9: {  	[sflag:s22] =	ssyncadd.s32 $0xFFFF8000  }
0xba: {  	v61 =	vld.msk [tilespmem:s24+$0x8], $0xff;
	_ =	sdelay $0x4  }
0xbb: {  	v7 =	vshll.u32 v61, $0x5  }
0xbc: {  	v6 =	vand.u32 $0x7, v61;
	v7 =	vand.u32 $0xFFFFFF00, v7  }
0xbd: {  	v6 =	vor.u32 v6, v7  }
0xbe: {  	v6 =	vperm.xlane v6, v0;
	_ =	sdelay $0x1  }
0xbf: {  	v6 =	vadd.s32 v1, v6;
	_ =	sdelay $0x4  }
0xc0: {  	[tilespmem:s28], [sflag:$0x1] =	stream.indirect_vreg.gather [hbm4b:s1+s3], $0x80, v6, vm0, $0xb8;
	[tilespmem:$0x18600] =	vst v63  }
0xc1: {  	s2 =	simm.s32 $0xE00  }
0xc2: {  	[tilespmem:s2], [sflag:$0x1] =	stream.indirect_vreg.gather [hbm4b:s6+s3], $0x80, v6, vm0, $0xb8;
	[tilespmem:$0x18600] =	vst v63  }
0xc3: {  	s2 =	simm.s32 $0x1600  }
0xc4: {  	[tilespmem:s2], [sflag:$0x1] =	stream.indirect_vreg.gather [hbm4b:s7+s3], $0x80, v6, vm0, $0xb8;
	[tilespmem:$0x18600] =	vst v63  }
0xc5: {  	s2 =	simm.s32 $0x1E00  }
0xc6: {  	[tilespmem:s2], [sflag:$0x1] =	stream.indirect_vreg.gather [hbm4b:s8+s3], $0x80, v6, vm0, $0xb8;
	[tilespmem:$0x18600] =	vst v63  }
0xc7: {  	s2 =	simm.s32 $0x2600  }
0xc8: {  	[tilespmem:s2], [sflag:$0x1] =	stream.indirect_vreg.gather [hbm4b:s9+s3], $0x80, v6, vm0, $0xb8;
	[tilespmem:$0x18600] =	vst v63  }
0xc9: {  	s2 =	simm.s32 $0x2E00  }
0xca: {  	[tilespmem:s2], [sflag:$0x1] =	stream.indirect_vreg.gather [hbm4b:s10+s3], $0x80, v6, vm0, $0xb8;
	[tilespmem:$0x18600] =	vst v63  }
0xcb: {  	s2 =	simm.s32 $0x3600  }
0xcc: {  	[tilespmem:s2], [sflag:$0x1] =	stream.indirect_vreg.gather [hbm4b:s11+s3], $0x80, v6, vm0, $0xb8;
	[tilespmem:$0x18600] =	vst v63  }
0xcd: {  	s2 =	simm.s32 $0x3E00  }
0xce: {  	[tilespmem:s2], [sflag:$0x1] =	stream.indirect_vreg.gather [hbm4b:s12+s3], $0x80, v6, vm0, $0xb8;
	[tilespmem:$0x18600] =	vst v63  }
0xcf: {  	s2 =	simm.s32 $0x4600  }
0xd0: {  	[tilespmem:s2], [sflag:$0x1] =	stream.indirect_vreg.gather [hbm4b:s13+s3], $0x80, v6, vm0, $0xb8;
	[tilespmem:$0x18600] =	vst v63  }
0xd1: {  	s2 =	simm.s32 $0x4E00  }
0xd2: {  	[tilespmem:s2], [sflag:$0x1] =	stream.indirect_vreg.gather [hbm4b:s14+s3], $0x80, v6, vm0, $0xb8;
	[tilespmem:$0x18600] =	vst v63  }
0xd3: {  	s2 =	simm.s32 $0x5600  }
0xd4: {  	[tilespmem:s2], [sflag:$0x1] =	stream.indirect_vreg.gather [hbm4b:s15+s3], $0x80, v6, vm0, $0xb8;
	[tilespmem:$0x18600] =	vst v63  }
0xd5: {  	s2 =	simm.s32 $0x5E00  }
0xd6: {  	[tilespmem:s2], [sflag:$0x1] =	stream.indirect_vreg.gather [hbm4b:s16+s3], $0x80, v6, vm0, $0xb8;
	[tilespmem:$0x18600] =	vst v63  }
0xd7: {  	s2 =	simm.s32 $0x6600  }
0xd8: {  	[tilespmem:s2], [sflag:$0x1] =	stream.indirect_vreg.gather [hbm4b:s17+s3], $0x80, v6, vm0, $0xb8;
	[tilespmem:$0x18600] =	vst v63  }
0xd9: {  	s2 =	simm.s32 $0x6E00  }
0xda: {  	[tilespmem:s2], [sflag:$0x1] =	stream.indirect_vreg.gather [hbm4b:s18+s3], $0x80, v6, vm0, $0xb8;
	[tilespmem:$0x18600] =	vst v63  }
0xdb: {  	s2 =	simm.s32 $0x7600  }
0xdc: {  	[tilespmem:s2], [sflag:$0x1] =	stream.indirect_vreg.gather [hbm4b:s19+s3], $0x80, v6, vm0, $0xb8;
	[tilespmem:$0x18600] =	vst v63  }
0xdd: {  	_ = 	snop  }
0xde: {  	[tilespmem:s26], [sflag:$0x1] =	stream.indirect_vreg.gather [hbm4b:s20+s3], $0x80, v6, vm0, $0xb8;
	[tilespmem:$0x18600] =	vst v63  }
0xdf: {  	_ =	swait.ge [sflag:s23], $0x8000  }
0xe0: {  	[sflag:s23] =	ssyncset.done $0x0  }
0xe1: {  	s30 =	sadd.s32 $0x2000, s30;
	[sflag:s23] =	ssyncadd.s32 $0xFFFF8000  }
0xe2: {  	[hbm4b:s30+s3] =	stream.linear.scatter [tilespmem:s5], [sflag:$0x6], $0x8000, $0x38;
	[tilespmem:$0x18600] =	vst v63  }
0xe3: {  	v62 =	vld [tilespmem:s25+$0x8];
	_ =	sdelay $0x4  }
0xe4: {  	v63 =	vshll.u32 v62, $0x3  }
0xe5: {  	v6 =	vand.u32 $0x7F, v62;
	v7 =	vand.u32 $0xFFFFFC00, v63  }
0xe6: {  	v6 =	vor.u32 v7, v6  }
0xe7: {  	v6 =	vor.u32 v2, v6;
	_ =	sdelay $0x4  }
0xe8: {  	s29 =	sadd.s32 $0x3000, s29;
	v6 =	vld.idx.msk [tilespmem:v6+s5+$0x0], $0xff  }
0xe9: {  	p0 =	sne.s32 s29, $0x4E000;
	v4 =	vnsel vm1, $0x0, v4  }
.Ltmp0:
0xea: {  	v3 =	vadd.f32 v4, v3;
	(pc) =	sbr.rel @p0 .LBB2_2-.Ltmp0, $4  }
0xeb: {  	v4 =	vnsel vm1, $0x0, v5  }
0xec: {  	v3 =	vadd.f32 v4, v3  }
0xed: {  	v4 =	vnsel vm1, $0x0, v6  }
0xee: {  	s24 =	sadd.s32 $0x18, s24;
	s25 =	sadd.s32 $0x18, s25;
	v3 =	vadd.f32 v4, v3  }
0xef: {  	s2 =	simm.s32 $0x5  }
0xf0: {  	_ =	swait.ge [sflag:s2], $0x8000  }
0xf1: {  	[sflag:s2] =	ssyncset.done $0x0  }
0xf2: {  	[sflag:s2] =	ssyncadd.s32 $0xFFFF8000  }
0xf3: {  	v4 =	vld.msk [tilespmem:$0x278], $0xff;
	_ =	sdelay $0x4  }
0xf4: {  	v5 =	vshll.u32 v4, $0x5  }
0xf5: {  	v4 =	vand.u32 $0x7, v4;
	v5 =	vand.u32 $0xFFFFFF00, v5  }
0xf6: {  	v4 =	vor.u32 v4, v5  }
0xf7: {  	v4 =	vperm.xlane v4, v0;
	_ =	sdelay $0x1  }
0xf8: {  	v4 =	vadd.s32 v1, v4;
	_ =	sdelay $0x4  }
0xf9: {  	[tilespmem:s31], [sflag:$0x2] =	stream.indirect_vreg.gather [hbm4b:s1+s3], $0x80, v4, vm0, $0xb8;
	[tilespmem:$0x18600] =	vst v63  }
0xfa: {  	s0 =	simm.s32 $0x8E00  }
0xfb: {  	[tilespmem:s0], [sflag:$0x2] =	stream.indirect_vreg.gather [hbm4b:s6+s3], $0x80, v4, vm0, $0xb8;
	[tilespmem:$0x18600] =	vst v63  }
0xfc: {  	s25 =	simm.s32 $0x9600  }
0xfd: {  	[tilespmem:s25], [sflag:$0x2] =	stream.indirect_vreg.gather [hbm4b:s7+s3], $0x80, v4, vm0, $0xb8;
	[tilespmem:$0x18600] =	vst v63  }
0xfe: {  	s26 =	simm.s32 $0x9E00  }
0xff: {  	[tilespmem:s26], [sflag:$0x2] =	stream.indirect_vreg.gather [hbm4b:s8+s3], $0x80, v4, vm0, $0xb8;
	[tilespmem:$0x18600] =	vst v63  }
0x100: {  	s24 =	simm.s32 $0xA600  }
0x101: {  	[tilespmem:s24], [sflag:$0x2] =	stream.indirect_vreg.gather [hbm4b:s9+s3], $0x80, v4, vm0, $0xb8;
	[tilespmem:$0x18600] =	vst v63  }
0x102: {  	s25 =	simm.s32 $0xAE00  }
0x103: {  	[tilespmem:s25], [sflag:$0x2] =	stream.indirect_vreg.gather [hbm4b:s10+s3], $0x80, v4, vm0, $0xb8;
	[tilespmem:$0x18600] =	vst v63  }
0x104: {  	s26 =	simm.s32 $0xB600  }
0x105: {  	[tilespmem:s26], [sflag:$0x2] =	stream.indirect_vreg.gather [hbm4b:s11+s3], $0x80, v4, vm0, $0xb8;
	[tilespmem:$0x18600] =	vst v63  }
0x106: {  	s24 =	simm.s32 $0xBE00  }
0x107: {  	[tilespmem:s24], [sflag:$0x2] =	stream.indirect_vreg.gather [hbm4b:s12+s3], $0x80, v4, vm0, $0xb8;
	[tilespmem:$0x18600] =	vst v63  }
0x108: {  	s25 =	simm.s32 $0xC600  }
0x109: {  	[tilespmem:s25], [sflag:$0x2] =	stream.indirect_vreg.gather [hbm4b:s13+s3], $0x80, v4, vm0, $0xb8;
	[tilespmem:$0x18600] =	vst v63  }
0x10a: {  	s26 =	simm.s32 $0xCE00  }
0x10b: {  	[tilespmem:s26], [sflag:$0x2] =	stream.indirect_vreg.gather [hbm4b:s14+s3], $0x80, v4, vm0, $0xb8;
	[tilespmem:$0x18600] =	vst v63  }
0x10c: {  	s24 =	simm.s32 $0xD600  }
0x10d: {  	[tilespmem:s24], [sflag:$0x2] =	stream.indirect_vreg.gather [hbm4b:s15+s3], $0x80, v4, vm0, $0xb8;
	[tilespmem:$0x18600] =	vst v63  }
0x10e: {  	s25 =	simm.s32 $0xDE00  }
0x10f: {  	[tilespmem:s25], [sflag:$0x2] =	stream.indirect_vreg.gather [hbm4b:s16+s3], $0x80, v4, vm0, $0xb8;
	[tilespmem:$0x18600] =	vst v63  }
0x110: {  	s26 =	simm.s32 $0xE600  }
0x111: {  	[tilespmem:s26], [sflag:$0x2] =	stream.indirect_vreg.gather [hbm4b:s17+s3], $0x80, v4, vm0, $0xb8;
	[tilespmem:$0x18600] =	vst v63  }
0x112: {  	s24 =	simm.s32 $0xEE00  }
0x113: {  	[tilespmem:s24], [sflag:$0x2] =	stream.indirect_vreg.gather [hbm4b:s18+s3], $0x80, v4, vm0, $0xb8;
	[tilespmem:$0x18600] =	vst v63  }
0x114: {  	s25 =	simm.s32 $0xF600  }
0x115: {  	[tilespmem:s25], [sflag:$0x2] =	stream.indirect_vreg.gather [hbm4b:s19+s3], $0x80, v4, vm0, $0xb8;
	[tilespmem:$0x18600] =	vst v63  }
0x116: {  	s26 =	simm.s32 $0xFE00  }
0x117: {  	[tilespmem:s26], [sflag:$0x2] =	stream.indirect_vreg.gather [hbm4b:s20+s3], $0x80, v4, vm0, $0xb8;
	[tilespmem:$0x18600] =	vst v63  }
0x118: {  	_ =	swait.ge [sflag:s4], $0x8000  }
0x119: {  	[sflag:s4] =	ssyncset.done $0x0  }
0x11a: {  	s24 =	rddreg [dreg:$0x16];
	[sflag:s4] =	ssyncadd.s32 $0xFFFF8000  }
0x11b: {  	[hbm4b:s24+s3] =	stream.linear.scatter [tilespmem:s28], [sflag:$0x4], $0x8000, $0x38;
	[tilespmem:$0x18600] =	vst v63  }
0x11c: {  	v60 =	vld [tilespmem:$0x4F0];
	_ =	sdelay $0x4  }
0x11d: {  	v61 =	vshll.u32 v60, $0x3  }
0x11e: {  	v4 =	vand.u32 $0x7F, v60;
	v5 =	vand.u32 $0xFFFFFC00, v61  }
0x11f: {  	v4 =	vor.u32 v5, v4  }
0x120: {  	v4 =	vor.u32 v2, v4;
	_ =	sdelay $0x3  }
0x121: {  	s25 =	simm.s32 $0x6  }
0x122: {  	v4 =	vld.idx.msk [tilespmem:v4+s28+$0x0], $0xff;
	_ =	swait.ge [sflag:s25], $0x8000  }
0x123: {  	[sflag:s25] =	ssyncset.done $0x0  }
0x124: {  	[sflag:s25] =	ssyncadd.s32 $0xFFFF8000  }
0x125: {  	_ =	swait.ge [sflag:s21], $0x8000  }
0x126: {  	[sflag:s21] =	ssyncset.done $0x0  }
0x127: {  	s26 =	rddreg [dreg:$0x17];
	[sflag:s21] =	ssyncadd.s32 $0xFFFF8000  }
0x128: {  	[hbm4b:s26+s3] =	stream.linear.scatter [tilespmem:s31], [sflag:$0x5], $0x8000, $0x38;
	[tilespmem:$0x18600] =	vst v63  }
0x129: {  	v62 =	vld [tilespmem:$0x4F8];
	_ =	sdelay $0x4  }
0x12a: {  	v6 =	vshll.u32 v62, $0x3  }
0x12b: {  	v5 =	vand.u32 $0x7F, v62;
	v6 =	vand.u32 $0xFFFFFC00, v6  }
0x12c: {  	v5 =	vor.u32 v6, v5  }
0x12d: {  	v5 =	vor.u32 v2, v5;
	_ =	sdelay $0x4  }
0x12e: {  	v5 =	vld.idx.msk [tilespmem:v5+s31+$0x0], $0xff;
	_ =	sdelay $0x1  }
0x12f: {  	_ =	swait.ge [sflag:s22], $0x8000  }
0x130: {  	v4 =	vnsel vm1, $0x0, v4;
	[sflag:s22] =	ssyncset.done $0x0  }
0x131: {  	v3 =	vadd.f32 v4, v3;
	[sflag:s22] =	ssyncadd.s32 $0xFFFF8000  }
0x132: {  	_ =	swait.ge [sflag:s2], $0x8000;
	v63 =	vnsel vm1, $0x0, v5  }
0x133: {  	[sflag:s2] =	ssyncset.done $0x0;
	v3 =	vadd.f32 v63, v3  }
0x134: {  	[sflag:s2] =	ssyncadd.s32 $0xFFFF8000  }
0x135: {  	s25 =	simm.s32 $0x580;
	s24 =	rddreg [dreg:$0x18];
	s2 =	simm.s32 $0x7;
	[tilespmem:$0x580] =	vst v3  }
0x136: {  	[hbm4b:s24+s3] =	stream.linear.scatter [tilespmem:s25], [sflag:$0x7], $0x10, $0x38;
	[tilespmem:$0x18600] =	vst v63  }
0x137: {  	_ =	swait.ge [sflag:s2], $0x10  }
0x138: {  	s24 =	rddreg [dreg:$0x1a]  }
0x139: {  	s26 =	rddreg [dreg:$0x19];
	s24 =	sadd.s32 $0x1, s24  }
0x13a: {  	p0 =	sne.s32 s24, s26  }
.Ltmp1:
0x13b: {  	_ = 	snop;
	(pc) =	sbr.rel @p0 .LBB2_1-.Ltmp1, $3  }
0x13c: {  	_ =	sdelay $0x1  }
0x13d: {  	s29 =	simm.s32 $0x1E00;
	s30 =	simm.s32 $0x2600;
	[sflag:s2] =	ssyncset.done $0x0  }
0x13e: {  	s25 =	simm.s32 $0xE00;
	[sflag:s2] =	ssyncadd.s32 $0xFFFFFFF0;
	s26 =	simm.s32 $0x1600  }
0x13f: {  	_ =	sfence.sel $0x180000  }
0x140: {  	[bflag:$0x0] =	sbarrier.arrive $0xFFFF  }
0x141: {  	_ =	strace $0x90000047  }
0x142: {  	s0 =	stileid.u32;
	[bflag:$0x2] =	sbarrier.arrive $0xFFFF  }
0x143: {  	p0 =	sne.s32 s0, $0x0;
	s0 =	rddreg [dreg:$0x3]  }
0x144: {  	s0 =	sadd.s32 @!p0 $0x100000, s0  }
0x145: {  	[sflag:s0] =	ssyncadd.tile.s32 @!p0 $0x1;
	_ =	shalt  }
.Lfunc_end2:
_tile_overlayer_lowered:
.L_overlay_start_2:
0x146: {  	(tag) =	ssettag $0x2  }
0x147: {  	s0 =	rddreg [dreg:$0x0];
	s2 =	stileid.u32  }
0x148: {  	s1 =	rddreg [dreg:$0x1];
	p0 =	sne.s32 s2, $0x0  }
0x149: {  	s3 =	rddreg [dreg:$0x2];
	[bflag:$0x3] =	sbarrier.arrive $0xFFFF;
	s2 =	simm.s32 @!p0 $0x1C07  }
0x14a: {  	[timem:s3], [sflag:s2] =	dma.local @!p0 [hbm:s0], s1  }
0x14b: {  	s0 =	simm.s32 @!p0 $0x7  }
0x14c: {  	_ =	swait.ge @!p0 [sflag:s0], s1  }
0x14d: {  	s1 =	ssub.s32 @!p0 $0x0, s1;
	[sflag:s0] =	ssyncset.done @!p0 $0x0  }
0x14e: {  	[sflag:s0] =	ssyncadd.s32 @!p0 s1  }
0x14f: {  	[bflag:$0x3] =	sbarrier.arrive $0xFFFF  }
0x150: {  	_ =	shalt  }

// kernel: kernel.9.cloned.1.call-start
scs
__scs_entry_jumppad:
0x0: {  	(pc) =	sbr.rel $0x88, $3  }
0x1: {  	(tag) =	ssettag $0x0;
	lr =	simm.s32 $0x1  }
0x2: {  	[smem:$0x3F9E] =	sst lr;
	_ =	strace $0xD0000000  }
0x3: {  	_ = 	snop  }
0x4: {  	_ = 	snop  }
0x5: {  	_ = 	snop  }
0x6: {  	_ = 	snop  }
0x7: {  	_ = 	snop  }
__scs_overlays_trampoline_lowered:
0x8: {  	[smem:$0x3FAD] =	sst s0  }
0x9: {  	[smem:$0x3FAE] =	sst s1  }
0xa: {  	[smem:$0x3FAF] =	sst s2  }
0xb: {  	[smem:$0x3FB0] =	sst s3  }
0xc: {  	[smem:$0x3FB1] =	sst s4  }
0xd: {  	[smem:$0x3FB2] =	sst s5  }
0xe: {  	[smem:$0x3FB3] =	sst s6  }
0xf: {  	[smem:$0x3FB4] =	sst s7  }
0x10: {  	[smem:$0x3FB5] =	sst s8  }
0x11: {  	[smem:$0x3FB6] =	sst s9;
	s0 =	simm.s32 @!p0 $0x0  }
0x12: {  	s1 =	sld [smem:$0x3F9C];
	s0 =	simm.s32 @p0 $0x1  }
0x13: {  	[smem:$0x3FB7] =	sst s0;
	s0 =	simm.s32 @!p1 $0x0  }
0x14: {  	s2 =	sld [smem:$0x3F9B];
	s0 =	simm.s32 @p1 $0x1  }
0x15: {  	[smem:$0x3FB8] =	sst s0;
	s0 =	simm.s32 @!p2 $0x0  }
0x16: {  	s3 =	sld [smem:$0x3FDB];
	s0 =	simm.s32 @p2 $0x1  }
0x17: {  	s4 =	simm.s32 $0x1BF5;
	[smem:$0x3FBA] =	sst s0  }
0x18: {  	s0 =	sld [smem:$0x3F9D];
	_ =	swait.ge [sflag:s4], $0x0  }
0x19: {  	s7 =	sld [smem:$0x3F9E]  }
0x1a: {  	s8 =	sadd.s32 $0xFFFFE003, lr  }
0x1b: {  	s9 =	sadd.s32 $0xFFFFFEF7, lr;
	s5 =	simm.s32 $0xFFFFFFFF;
	p2 =	slt.u32 s8, $0xFFFFF086  }
0x1c: {  	p1 =	slt.u32 s9, $0xF7A;
	s5 =	simm.s32 @!p2 $0x0  }
0x1d: {  	s5 =	simm.s32 @p1 $0x1;
	p0 =	seq.s32 s7, s2  }
0x1e: {  	s7 =	smul.u32 @!p0 $0xF7A, s2;
	p2 =	seq.s32 @!p0 s5, $0x0  }
0x1f: {  	s9 =	smul.u32 $0xF7A, s1;
	s8 =	simm.s32 @!p0 $0x1BF5;
	p2 =	por !p2, p0  }
0x20: {  	[sflag:s8] =	ssyncset.s32 @!p0 $0xFFFFF086;
	s6 =	sadd.s32 @!p0 s3, s7;
	s7 =	simm.s32 @!p0 $0x108  }
0x21: {  	s3 =	sadd.s32 s3, s9;
	s6 =	sadd.s32 @!p0 $0x88, s6;
	s7 =	simm.s32 @p2 $0x1082  }
0x22: {  	[simem:s7], [sflag:s8] =	dma.local @!p0 [hbm:s6], $0xF7A  }
0x23: {  	s9 =	sor.u32 $0xD0000000, s2;
	s6 =	simm.s32 $0x108;
	_ =	swait.ge @!p0 [sflag:s8], $0x0  }
0x24: {  	s3 =	sadd.s32 $0x88, s3;
	s6 =	simm.s32 @!p1 $0x1082;
	[sflag:s4] =	ssyncset.s32 $0xFFFFF086  }
0x25: {  	[simem:s6], [sflag:s4] =	dma.local [hbm:s3], $0xF7A  }
0x26: {  	[smem:$0x3F9E] =	sst s1;
	(tag) =	ssettag s2;
	_ =	strace s9  }
0x27: {  	s1 =	sld [smem:$0x3FAE]  }
0x28: {  	s2 =	sld [smem:$0x3FAF]  }
0x29: {  	s4 =	sld [smem:$0x3FB1]  }
0x2a: {  	p0 =	seq.s32 s5, $0x0;
	s5 =	sld [smem:$0x3FB2]  }
0x2b: {  	s6 =	sld [smem:$0x3FB3]  }
0x2c: {  	s7 =	sld [smem:$0x3FB4]  }
0x2d: {  	s3 =	simm.s32 $0x108;
	s8 =	sld [smem:$0x3FB5]  }
0x2e: {  	s3 =	simm.s32 @!p0 $0x1082;
	s9 =	sld [smem:$0x3FB6]  }
0x2f: {  	lr =	sadd.s32 s0, s3;
	s0 =	sld [smem:$0x3FAD]  }
0x30: {  	s3 =	sld [smem:$0x3FB0]  }
0x31: {  	[smem:$0x3FB9] =	sst s10  }
0x32: {  	s10 =	sld [smem:$0x3FB7];
	_ =	sdelay $0x3  }
0x33: {  	p0 =	seq.s32 s10, $0x1;
	s10 =	sld [smem:$0x3FB9];
	_ =	sdelay $0x3  }
0x34: {  	[smem:$0x3FB9] =	sst s10  }
0x35: {  	s10 =	sld [smem:$0x3FB8];
	_ =	sdelay $0x3  }
0x36: {  	p1 =	seq.s32 s10, $0x1;
	s10 =	sld [smem:$0x3FB9];
	_ =	sdelay $0x3  }
0x37: {  	[smem:$0x3FB9] =	sst s10  }
0x38: {  	s10 =	sld [smem:$0x3FBA]  }
0x39: {  	_ = 	snop;
	(pc) =	sbr.ind lr, $3  }
0x3a: {  	_ = 	snop  }
0x3b: {  	_ = 	snop  }
0x3c: {  	p2 =	seq.s32 s10, $0x1;
	s10 =	sld [smem:$0x3FB9]  }
0x3d: {  	_ =	shalt  }
0x3e: {  	_ =	shalt  }
0x3f: {  	_ =	shalt  }
0x40: {  	_ =	shalt  }
0x41: {  	_ =	shalt  }
0x42: {  	_ =	shalt  }
0x43: {  	_ =	shalt  }
0x44: {  	_ =	shalt  }
0x45: {  	_ =	shalt  }
0x46: {  	_ =	shalt  }
0x47: {  	_ =	shalt  }
0x48: {  	_ =	shalt  }
0x49: {  	_ =	shalt  }
0x4a: {  	_ =	shalt  }
0x4b: {  	_ =	shalt  }
0x4c: {  	_ =	shalt  }
0x4d: {  	_ =	shalt  }
0x4e: {  	_ =	shalt  }
0x4f: {  	_ =	shalt  }
0x50: {  	_ =	shalt  }
0x51: {  	_ =	shalt  }
0x52: {  	_ =	shalt  }
0x53: {  	_ =	shalt  }
0x54: {  	_ =	shalt  }
0x55: {  	_ =	shalt  }
0x56: {  	_ =	shalt  }
0x57: {  	_ =	shalt  }
0x58: {  	_ =	shalt  }
0x59: {  	_ =	shalt  }
0x5a: {  	_ =	shalt  }
0x5b: {  	_ =	shalt  }
0x5c: {  	_ =	shalt  }
0x5d: {  	_ =	shalt  }
0x5e: {  	_ =	shalt  }
0x5f: {  	_ =	shalt  }
0x60: {  	_ =	shalt  }
0x61: {  	_ =	shalt  }
0x62: {  	_ =	shalt  }
0x63: {  	_ =	shalt  }
0x64: {  	_ =	shalt  }
0x65: {  	_ =	shalt  }
0x66: {  	_ =	shalt  }
0x67: {  	_ =	shalt  }
0x68: {  	_ =	shalt  }
0x69: {  	_ =	shalt  }
0x6a: {  	_ =	shalt  }
0x6b: {  	_ =	shalt  }
0x6c: {  	_ =	shalt  }
0x6d: {  	_ =	shalt  }
0x6e: {  	_ =	shalt  }
0x6f: {  	_ =	shalt  }
0x70: {  	_ =	shalt  }
0x71: {  	_ =	shalt  }
0x72: {  	_ =	shalt  }
0x73: {  	_ =	shalt  }
0x74: {  	_ =	shalt  }
0x75: {  	_ =	shalt  }
0x76: {  	_ =	shalt  }
0x77: {  	_ =	shalt  }
0x78: {  	_ =	shalt  }
0x79: {  	_ =	shalt  }
0x7a: {  	_ =	shalt  }
0x7b: {  	_ =	shalt  }
0x7c: {  	_ =	shalt  }
0x7d: {  	_ =	shalt  }
0x7e: {  	_ =	shalt  }
0x7f: {  	_ =	shalt  }
0x80: {  	_ =	shalt  }
0x81: {  	_ =	shalt  }
0x82: {  	_ =	shalt  }
0x83: {  	_ =	shalt  }
0x84: {  	_ =	shalt  }
0x85: {  	_ =	shalt  }
0x86: {  	_ =	shalt  }
0x87: {  	_ =	shalt  }
.Lfunc_end0:
.L_simem_size_0:
called_computation.2_lowered:
.L_overlay_start_0:
0x88: {  	s2 =	sld [smem:$0x3FD9]  }
0x89: {  	s3 =	sld [smem:$0x3FFE];
	_ =	sdelay $0x1  }
0x8a: {  	s1 =	srdreg.scid  }
0x8b: {  	s0 =	sand.u32 $0x1, s1  }
0x8c: {  	s17 =	sshll.u32 s0, $0xA;
	s2 =	sadd.s32 s3, s2  }
0x8d: {  	s2 =	sadd.s32 s2, s17  }
0x8e: {  	[smem:$0x3FC5] =	sst s2  }
0x8f: {  	_ = 	snop  }
0x90: {  	(tm) =	ssettm $0x1  }
0x91: {  	s18 =	sld [smem:$0x3FFB];
	_ =	sdelay $0x3  }
0x92: {  	_ =	strace s18  }
0x93: {  	s2 =	sld [smem:$0x3FFC];
	_ =	sdelay $0x3  }
0x94: {  	_ =	strace s2  }
0x95: {  	s2 =	sld [smem:$0x3FFD];
	_ =	sdelay $0x3  }
0x96: {  	_ =	strace s2  }
0x97: {  	_ =	strace $0x8FFFFFFF  }
0x98: {  	s19 =	sld [smem:$0x3FDB];
	_ =	sdelay $0x1  }
0x99: {  	s20 =	simm.s32 $_scs_section_size  }
0x9a: {  	s4 =	simm.s32 $_size__tile_overlayer_lowered;
	s5 =	simm.s32 $_tile_overlayer_lowered  }
0x9b: {  	s6 =	simm.s32 $0x1BFF;
	s21 =	sshll.u32 s5, $0x1;
	s3 =	sadd.s32 s20, s19  }
0x9c: {  	s22 =	simm.s32 $0x0;
	s4 =	sshll.u32 s4, $0x1;
	s5 =	sadd.s32 s21, s3  }
0x9d: {  	[timem:s22], [sflag:s6] =	dma.local [hbm:s5], s4  }
0x9e: {  	_ =	swait.ge [sflag:s6], s4  }
0x9f: {  	s4 =	ssub.s32 $0x0, s4;
	[sflag:s6] =	ssyncset.done $0x0  }
0xa0: {  	[sflag:s6] =	ssyncadd.s32 s4;
	_ =	sdelay $0x1  }
0xa1: {  	s23 =	simm.s32 $0x1B8B  }
0xa2: {  	_ =	swait.ge [sflag:s23], $0x1  }
0xa3: {  	[sflag:s23] =	ssyncset.done $0x0  }
0xa4: {  	[sflag:s23] =	ssyncadd.s32 $0xFFFFFFFF  }
0xa5: {  	s4 =	sld [smem:$0x0]  }
0xa6: {  	s5 =	sand.u32 $0xFFFFFFFE, s1  }
0xa7: {  	p0 =	sne.s32 s1, s5  }
0xa8: {  	s5 =	sshll.u32 @p0 s5, $0xE  }
0xa9: {  	s5 =	sadd.s32 @p0 $0x11B8D, s5;
	s6 =	sshll.u32 @p0 s4, $0x11  }
0xaa: {  	s5 =	sor.u32 @p0 s6, s5  }
0xab: {  	[sflag:s5] =	ssyncadd.remote.s32 @p0 $0x1;
	_ =	sdelay $0x1  }
0xac: {  	s5 =	simm.s32 @p0 $0x1B8D  }
0xad: {  	_ =	swait.eq @p0 [sflag:s5], $0x1  }
0xae: {  	[sflag:s5] =	ssyncadd.s32 @p0 $0xFFFFFFFF  }
0xaf: {  	s6 =	sshll.u32 @!p0 s1, $0xE  }
0xb0: {  	s6 =	sor.u32 @!p0 $0x4000, s6;
	s5 =	simm.s32 @!p0 $0x1B8D  }
0xb1: {  	s4 =	sshll.u32 @!p0 s4, $0x11;
	s6 =	sadd.s32 @!p0 $0x11B8D, s6;
	_ =	swait.eq @!p0 [sflag:s5], $0x1  }
0xb2: {  	s4 =	sor.u32 @!p0 s4, s6;
	[sflag:s5] =	ssyncadd.s32 @!p0 $0xFFFFFFFF  }
0xb3: {  	s25 =	simm.s32 $0x1B8E;
	s24 =	sld [smem:$0x3FFE];
	[sflag:s4] =	ssyncadd.remote.s32 @!p0 $0x1  }
0xb4: {  	s26 =	simm.s32 $execute0_lowered;
	[smem:$0x3FD2] =	sst s25  }
0xb5: {  	s5 =	sshll.u32 s26, $0x1;
	_ =	strace $0x80000049;
	[dreg:$0x1] =	wrdreg $0xFFFFFFFF  }
0xb6: {  	s28 =	simm.s32 $_size_execute0_lowered;
	s3 =	sadd.s32 s3, s5;
	[dreg:$0x0] =	wrdreg $0x0  }
0xb7: {  	s5 =	sshll.u32 s28, $0x1;
	[dreg:$0x2] =	wrdreg s3  }
0xb8: {  	[dreg:$0x3] =	wrdreg s5  }
0xb9: {  	[dreg:$0x4] =	wrdreg $0xC0  }
0xba: {  	_ =	task [dreg:s22], $0x5FFFF  }
0xbb: {  	[dreg:$0x1] =	wrdreg $0xFFFFFFFF  }
0xbc: {  	[dreg:$0x0] =	wrdreg $0x60  }
0xbd: {  	[dreg:$0x2] =	wrdreg s24  }
0xbe: {  	[dreg:$0x3] =	wrdreg $0x9  }
0xbf: {  	_ =	task.clear_ibuf [dreg:s22], $0x4FFFF;
	_ =	strace $0x90000049  }
0xc0: {  	s29 =	simm.s32 $0x9;
	_ =	strace $0x8000004B  }
0xc1: {  	_ =	swait.ge [sflag:s29], $0x1  }
0xc2: {  	[sflag:s29] =	ssyncadd.s32 $0xFFFFFFFF  }
0xc3: {  	_ =	strace $0x9000004B  }
0xc4: {  	_ =	sfence  }
0xc5: {  	s30 =	sld [smem:$0x0];
	_ =	sdelay $0x2  }
0xc6: {  	s31 =	sshll.u32 s1, $0xD;
	s1 =	sshrl.u32 s1, $0x2  }
0xc7: {  	s4 =	sand.u32 $0x4000, s31;
	s1 =	sadd.s32 s1, s30  }
0xc8: {  	s0 =	sor.u32 s4, s0;
	s1 =	sshll.u32 s1, $0x11  }
0xc9: {  	s0 =	sor.u32 s1, s0  }
0xca: {  	s0 =	sadd.s32 $0x8F2B, s0  }
0xcb: {  	[sflag:s0] =	ssyncadd.remote.s32 $0x1  }
0xcc: {  	_ =	sfence.sel $0xFFFF  }
0xcd: {  	[dreg:$0x0] =	wrdreg $0xFFFFFFFF;
	(pc) =	sbr.abs _section_cstart, $3  }
0xce: {  	[dreg:$0x1] =	wrdreg $0xFFFFFFFF  }
0xcf: {  	_ =	task.clear_ibuf [dreg:s22], $0x2FFFF;
	_ =	strace $0x9FFFFFFF  }
0xd0: {  	(tm) =	ssettm $0x7FFFFFFF  }
0xd1: {  	_ =	shalt  }
tec
execute0_lowered:
.L_overlay_start_1:
0x0: {  	(tag) =	ssettag $0x1  }
0x1: {  	s7 =	rddreg [dreg:$0x0]  }
0x2: {  	s0 =	rddreg [dreg:$0x1]  }
0x3: {  	s3 =	srdreg.scid;
	s1 =	stileid.u32  }
0x4: {  	s2 =	simm.s32 $0x0;
	s8 =	sand.u32 $0x1, s3;
	s30 =	sshll.u32 s1, $0x1  }
0x5: {  	s4 =	simm.s32 $0x1;
	[smem:$0x7FF] =	sst s2;
	s9 =	sor.u32 s8, s30  }
0x6: {  	s3 =	sadd.s32 $0x2E00, s7;
	_ =	strace $0x8000004A;
	s5 =	smul.u32 $0x50, s9  }
0x7: {  	[tilespmem:s2], [sflag:$0x1] =	stream.linear.gather [hbm4b:s3+s2], $0x1000, $0x38;
	[tilespmem:$0x1300] =	vst v63  }
0x8: {  	_ =	swait.ge [sflag:s4], $0x1000  }
0x9: {  	s5 =	sadd.s32 s5, s7;
	[sflag:s4] =	ssyncset.done $0x0  }
0xa: {  	s6 =	simm.s32 $0x1000;
	s5 =	sadd.s32 $0x1600, s5;
	[sflag:s4] =	ssyncadd.s32 $0xFFFFF000  }
0xb: {  	[tilespmem:s6], [sflag:$0x1] =	stream.linear.gather [hbm4b:s5+s2], $0x280, $0x38;
	[tilespmem:$0x1300] =	vst v63  }
0xc: {  	_ =	swait.ge [sflag:s4], $0x280  }
0xd: {  	[sflag:s4] =	ssyncset.done $0x0  }
0xe: {  	[sflag:s4] =	ssyncadd.s32 $0xFFFFFD80  }
0xf: {  	v0 =	vld [tilespmem:$0x1000];
	_ =	sdelay $0x1  }
0x10: {  	v1 =	vld [tilespmem:$0x1010];
	_ =	sdelay $0x1  }
0x11: {  	v2 =	vld [tilespmem:$0x1020];
	_ =	sdelay $0x1  }
0x12: {  	v3 =	vld [tilespmem:$0x1030]  }
0x13: {  	v4 =	vld [tilespmem:$0x1040]  }
0x14: {  	v0 =	vld.idx.msk [tilespmem:v0+s2+$0x0], $0xffff  }
0x15: {  	v5 =	vld [tilespmem:$0x1050]  }
0x16: {  	v1 =	vld.idx.msk [tilespmem:v1+s2+$0x0], $0xffff  }
0x17: {  	v6 =	vld [tilespmem:$0x1060]  }
0x18: {  	v2 =	vld.idx.msk [tilespmem:v2+s2+$0x0], $0xffff  }
0x19: {  	v7 =	vld [tilespmem:$0x1070];
	v0 =	vadd.f32 $0.0e+00, v0  }
0x1a: {  	v3 =	vld.idx.msk [tilespmem:v3+s2+$0x0], $0xffff  }
0x1b: {  	v8 =	vld [tilespmem:$0x1080];
	v0 =	vadd.f32 v1, v0  }
0x1c: {  	v49 =	vld.idx.msk [tilespmem:v4+s2+$0x0], $0xffff  }
0x1d: {  	v50 =	vld [tilespmem:$0x1090];
	v0 =	vadd.f32 v2, v0  }
0x1e: {  	v51 =	vld.idx.msk [tilespmem:v5+s2+$0x0], $0xffff  }
0x1f: {  	v52 =	vld [tilespmem:$0x10A0];
	v0 =	vadd.f32 v3, v0  }
0x20: {  	v53 =	vld.idx.msk [tilespmem:v6+s2+$0x0], $0xffff  }
0x21: {  	v54 =	vld [tilespmem:$0x10B0];
	v0 =	vadd.f32 v49, v0  }
0x22: {  	v55 =	vld.idx.msk [tilespmem:v7+s2+$0x0], $0xffff  }
0x23: {  	v56 =	vld [tilespmem:$0x10C0];
	v0 =	vadd.f32 v51, v0  }
0x24: {  	v57 =	vld.idx.msk [tilespmem:v8+s2+$0x0], $0xffff  }
0x25: {  	v58 =	vld [tilespmem:$0x10D0];
	v0 =	vadd.f32 v53, v0  }
0x26: {  	v59 =	vld.idx.msk [tilespmem:v50+s2+$0x0], $0xffff  }
0x27: {  	v60 =	vld [tilespmem:$0x10E0];
	v0 =	vadd.f32 v55, v0  }
0x28: {  	v61 =	vld.idx.msk [tilespmem:v52+s2+$0x0], $0xffff  }
0x29: {  	v62 =	vld [tilespmem:$0x10F0];
	v0 =	vadd.f32 v57, v0  }
0x2a: {  	v63 =	vld.idx.msk [tilespmem:v54+s2+$0x0], $0xffff  }
0x2b: {  	v12 =	vld [tilespmem:$0x1100];
	v0 =	vadd.f32 v59, v0  }
0x2c: {  	v13 =	vld.idx.msk [tilespmem:v56+s2+$0x0], $0xffff  }
0x2d: {  	v14 =	vld [tilespmem:$0x1110];
	v0 =	vadd.f32 v61, v0  }
0x2e: {  	v15 =	vld.idx.msk [tilespmem:v58+s2+$0x0], $0xffff  }
0x2f: {  	v16 =	vld [tilespmem:$0x1120];
	v0 =	vadd.f32 v63, v0  }
0x30: {  	v17 =	vld.idx.msk [tilespmem:v60+s2+$0x0], $0xffff  }
0x31: {  	v18 =	vld [tilespmem:$0x1130];
	v0 =	vadd.f32 v13, v0  }
0x32: {  	v19 =	vld.idx.msk [tilespmem:v62+s2+$0x0], $0xffff  }
0x33: {  	v20 =	vld [tilespmem:$0x1140];
	v0 =	vadd.f32 v15, v0  }
0x34: {  	v21 =	vld.idx.msk [tilespmem:v12+s2+$0x0], $0xffff  }
0x35: {  	v22 =	vld [tilespmem:$0x1150];
	v0 =	vadd.f32 v17, v0  }
0x36: {  	v23 =	vld.idx.msk [tilespmem:v14+s2+$0x0], $0xffff  }
0x37: {  	v24 =	vld [tilespmem:$0x1160];
	v0 =	vadd.f32 v19, v0  }
0x38: {  	v25 =	vld.idx.msk [tilespmem:v16+s2+$0x0], $0xffff  }
0x39: {  	v26 =	vld [tilespmem:$0x1170];
	v0 =	vadd.f32 v21, v0  }
0x3a: {  	v27 =	vld.idx.msk [tilespmem:v18+s2+$0x0], $0xffff  }
0x3b: {  	v28 =	vld [tilespmem:$0x1180];
	v0 =	vadd.f32 v23, v0  }
0x3c: {  	v29 =	vld.idx.msk [tilespmem:v20+s2+$0x0], $0xffff  }
0x3d: {  	v30 =	vld [tilespmem:$0x1190];
	v0 =	vadd.f32 v25, v0  }
0x3e: {  	v31 =	vld.idx.msk [tilespmem:v22+s2+$0x0], $0xffff  }
0x3f: {  	v32 =	vld [tilespmem:$0x11A0];
	v0 =	vadd.f32 v27, v0  }
0x40: {  	v33 =	vld.idx.msk [tilespmem:v24+s2+$0x0], $0xffff  }
0x41: {  	v34 =	vld [tilespmem:$0x11B0];
	v0 =	vadd.f32 v29, v0  }
0x42: {  	v35 =	vld.idx.msk [tilespmem:v26+s2+$0x0], $0xffff  }
0x43: {  	v36 =	vld [tilespmem:$0x11C0];
	v0 =	vadd.f32 v31, v0  }
0x44: {  	v37 =	vld.idx.msk [tilespmem:v28+s2+$0x0], $0xffff  }
0x45: {  	v38 =	vld [tilespmem:$0x11D0];
	v0 =	vadd.f32 v33, v0  }
0x46: {  	v39 =	vld.idx.msk [tilespmem:v30+s2+$0x0], $0xffff  }
0x47: {  	v40 =	vld [tilespmem:$0x11E0];
	v0 =	vadd.f32 v35, v0  }
0x48: {  	v41 =	vld.idx.msk [tilespmem:v32+s2+$0x0], $0xffff  }
0x49: {  	v42 =	vld [tilespmem:$0x11F0];
	v0 =	vadd.f32 v37, v0  }
0x4a: {  	v43 =	vld.idx.msk [tilespmem:v34+s2+$0x0], $0xffff  }
0x4b: {  	v44 =	vld [tilespmem:$0x1200];
	v0 =	vadd.f32 v39, v0  }
0x4c: {  	v45 =	vld.idx.msk [tilespmem:v36+s2+$0x0], $0xffff  }
0x4d: {  	v46 =	vld [tilespmem:$0x1210];
	v0 =	vadd.f32 v41, v0  }
0x4e: {  	v47 =	vld.idx.msk [tilespmem:v38+s2+$0x0], $0xffff  }
0x4f: {  	v48 =	vld [tilespmem:$0x1220];
	v0 =	vadd.f32 v43, v0  }
0x50: {  	v49 =	vld.idx.msk [tilespmem:v40+s2+$0x0], $0xffff  }
0x51: {  	v50 =	vld [tilespmem:$0x1230];
	v0 =	vadd.f32 v45, v0  }
0x52: {  	v51 =	vld.idx.msk [tilespmem:v42+s2+$0x0], $0xffff  }
0x53: {  	v52 =	vld [tilespmem:$0x1240];
	v0 =	vadd.f32 v47, v0  }
0x54: {  	v53 =	vld.idx.msk [tilespmem:v44+s2+$0x0], $0xffff  }
0x55: {  	v54 =	vld [tilespmem:$0x1250];
	v0 =	vadd.f32 v49, v0  }
0x56: {  	v55 =	vld.idx.msk [tilespmem:v46+s2+$0x0], $0xffff  }
0x57: {  	v56 =	vld [tilespmem:$0x1260];
	v0 =	vadd.f32 v51, v0  }
0x58: {  	v57 =	vld.idx.msk [tilespmem:v48+s2+$0x0], $0xffff  }
0x59: {  	v58 =	vld [tilespmem:$0x1270];
	v0 =	vadd.f32 v53, v0  }
0x5a: {  	v59 =	vld.idx.msk [tilespmem:v50+s2+$0x0], $0xffff  }
0x5b: {  	v0 =	vadd.f32 v55, v0  }
0x5c: {  	v60 =	vld.idx.msk [tilespmem:v52+s2+$0x0], $0xffff  }
0x5d: {  	v0 =	vadd.f32 v57, v0  }
0x5e: {  	v61 =	vld.idx.msk [tilespmem:v54+s2+$0x0], $0xffff  }
0x5f: {  	v0 =	vadd.f32 v59, v0  }
0x60: {  	v62 =	vld.idx.msk [tilespmem:v56+s2+$0x0], $0xffff  }
0x61: {  	v0 =	vadd.f32 v60, v0  }
0x62: {  	v63 =	vld.idx.msk [tilespmem:v58+s2+$0x0], $0xffff  }
0x63: {  	s8 =	ssub.s32 $0x2, s8;
	v0 =	vadd.f32 v61, v0  }
0x64: {  	s10 =	sshrl.u32 s8, $0x1  }
0x65: {  	s8 =	ssub.s32 s8, s10;
	v0 =	vadd.f32 v62, v0  }
0x66: {  	s31 =	smax.u32 s8, $0x1  }
0x67: {  	s9 =	sshll.u32 s9, $0x1;
	p0 =	sne.s32 s31, $0x1;
	v0 =	vadd.f32 v63, v0  }
.Ltmp0:
0x68: {  	s7 =	sadd.s32 s9, s7;
	(pc) =	sbr.rel @!p0 .LBB2_2-.Ltmp0, $4  }
0x69: {  	s8 =	simm.s32 $0x1280;
	s7 =	sadd.s32 $0x3000, s7;
	[tilespmem:$0x1280] =	vst v0  }
0x6a: {  	[hbm4b:s7+s2] =	stream.linear.scatter [tilespmem:s8], [sflag:$0x1], $0x10, $0x38;
	[tilespmem:$0x1300] =	vst v63  }
0x6b: {  	_ =	swait.ge [sflag:s4], $0x10  }
0x6c: {  	s9 =	sadd.s32 $0xFFFFFFFF, s31;
	[sflag:s4] =	ssyncset.done $0x0  }
.LBB2_1:
0x6d: {  	p0 =	sne.s32 s9, $0x1;
	s9 =	sadd.s32 $0xFFFFFFFF, s9;
	[sflag:s4] =	ssyncadd.s32 $0xFFFFFFF0  }
0x6e: {  	[tilespmem:s2], [sflag:$0x1] =	stream.linear.gather [hbm4b:s3+s2], $0x1000, $0x38;
	[tilespmem:$0x1300] =	vst v63  }
0x6f: {  	_ =	swait.ge [sflag:s4], $0x1000  }
0x70: {  	[sflag:s4] =	ssyncset.done $0x0  }
0x71: {  	[sflag:s4] =	ssyncadd.s32 $0xFFFFF000  }
0x72: {  	[tilespmem:s6], [sflag:$0x1] =	stream.linear.gather [hbm4b:s5+s2], $0x280, $0x38;
	[tilespmem:$0x1300] =	vst v63  }
0x73: {  	_ =	swait.ge [sflag:s4], $0x280  }
0x74: {  	[sflag:s4] =	ssyncset.done $0x0  }
0x75: {  	[sflag:s4] =	ssyncadd.s32 $0xFFFFFD80  }
0x76: {  	v0 =	vld [tilespmem:$0x1000]  }
0x77: {  	v1 =	vld [tilespmem:$0x1010]  }
0x78: {  	v2 =	vld [tilespmem:$0x1020]  }
0x79: {  	v3 =	vld [tilespmem:$0x1030]  }
0x7a: {  	v4 =	vld [tilespmem:$0x1040]  }
0x7b: {  	v5 =	vld [tilespmem:$0x1050]  }
0x7c: {  	v6 =	vld [tilespmem:$0x1060]  }
0x7d: {  	v7 =	vld [tilespmem:$0x1070]  }
0x7e: {  	v0 =	vld.idx.msk [tilespmem:v0+s2+$0x0], $0xffff  }
0x7f: {  	v8 =	vld [tilespmem:$0x1080]  }
0x80: {  	v1 =	vld.idx.msk [tilespmem:v1+s2+$0x0], $0xffff  }
0x81: {  	v9 =	vld [tilespmem:$0x1090]  }
0x82: {  	v2 =	vld.idx.msk [tilespmem:v2+s2+$0x0], $0xffff  }
0x83: {  	v10 =	vld [tilespmem:$0x10A0]  }
0x84: {  	v0 =	vadd.f32 $0.0e+00, v0;
	v3 =	vld.idx.msk [tilespmem:v3+s2+$0x0], $0xffff  }
0x85: {  	v11 =	vld [tilespmem:$0x10B0]  }
0x86: {  	v0 =	vadd.f32 v1, v0;
	v1 =	vld.idx.msk [tilespmem:v4+s2+$0x0], $0xffff  }
0x87: {  	v4 =	vld [tilespmem:$0x10C0]  }
0x88: {  	v0 =	vadd.f32 v2, v0;
	v2 =	vld.idx.msk [tilespmem:v5+s2+$0x0], $0xffff  }
0x89: {  	v5 =	vld [tilespmem:$0x10D0]  }
0x8a: {  	v0 =	vadd.f32 v3, v0;
	v3 =	vld.idx.msk [tilespmem:v6+s2+$0x0], $0xffff  }
0x8b: {  	v6 =	vld [tilespmem:$0x10E0]  }
0x8c: {  	v0 =	vadd.f32 v1, v0;
	v1 =	vld.idx.msk [tilespmem:v7+s2+$0x0], $0xffff  }
0x8d: {  	v7 =	vld [tilespmem:$0x10F0]  }
0x8e: {  	v0 =	vadd.f32 v2, v0;
	v2 =	vld.idx.msk [tilespmem:v8+s2+$0x0], $0xffff  }
0x8f: {  	v8 =	vld [tilespmem:$0x1100]  }
0x90: {  	v0 =	vadd.f32 v3, v0;
	v3 =	vld.idx.msk [tilespmem:v9+s2+$0x0], $0xffff  }
0x91: {  	v9 =	vld [tilespmem:$0x1110]  }
0x92: {  	v0 =	vadd.f32 v1, v0;
	v1 =	vld.idx.msk [tilespmem:v10+s2+$0x0], $0xffff  }
0x93: {  	v10 =	vld [tilespmem:$0x1120]  }
0x94: {  	v0 =	vadd.f32 v2, v0;
	v2 =	vld.idx.msk [tilespmem:v11+s2+$0x0], $0xffff  }
0x95: {  	v11 =	vld [tilespmem:$0x1130]  }
0x96: {  	v0 =	vadd.f32 v3, v0;
	v3 =	vld.idx.msk [tilespmem:v4+s2+$0x0], $0xffff  }
0x97: {  	v4 =	vld [tilespmem:$0x1140]  }
0x98: {  	v0 =	vadd.f32 v1, v0;
	v1 =	vld.idx.msk [tilespmem:v5+s2+$0x0], $0xffff  }
0x99: {  	v5 =	vld [tilespmem:$0x1150]  }
0x9a: {  	v0 =	vadd.f32 v2, v0;
	v2 =	vld.idx.msk [tilespmem:v6+s2+$0x0], $0xffff  }
0x9b: {  	v6 =	vld [tilespmem:$0x1160]  }
0x9c: {  	v0 =	vadd.f32 v3, v0;
	v3 =	vld.idx.msk [tilespmem:v7+s2+$0x0], $0xffff  }
0x9d: {  	v7 =	vld [tilespmem:$0x1170]  }
0x9e: {  	v0 =	vadd.f32 v1, v0;
	v1 =	vld.idx.msk [tilespmem:v8+s2+$0x0], $0xffff  }
0x9f: {  	v8 =	vld [tilespmem:$0x1180]  }
0xa0: {  	v0 =	vadd.f32 v2, v0;
	v2 =	vld.idx.msk [tilespmem:v9+s2+$0x0], $0xffff  }
0xa1: {  	v9 =	vld [tilespmem:$0x1190]  }
0xa2: {  	v0 =	vadd.f32 v3, v0;
	v3 =	vld.idx.msk [tilespmem:v10+s2+$0x0], $0xffff  }
0xa3: {  	v10 =	vld [tilespmem:$0x11A0]  }
0xa4: {  	v0 =	vadd.f32 v1, v0;
	v1 =	vld.idx.msk [tilespmem:v11+s2+$0x0], $0xffff  }
0xa5: {  	v11 =	vld [tilespmem:$0x11B0]  }
0xa6: {  	v0 =	vadd.f32 v2, v0;
	v2 =	vld.idx.msk [tilespmem:v4+s2+$0x0], $0xffff  }
0xa7: {  	v4 =	vld [tilespmem:$0x11C0]  }
0xa8: {  	v0 =	vadd.f32 v3, v0;
	v3 =	vld.idx.msk [tilespmem:v5+s2+$0x0], $0xffff  }
0xa9: {  	v5 =	vld [tilespmem:$0x11D0]  }
0xaa: {  	v0 =	vadd.f32 v1, v0;
	v1 =	vld.idx.msk [tilespmem:v6+s2+$0x0], $0xffff  }
0xab: {  	v6 =	vld [tilespmem:$0x11E0]  }
0xac: {  	v0 =	vadd.f32 v2, v0;
	v2 =	vld.idx.msk [tilespmem:v7+s2+$0x0], $0xffff  }
0xad: {  	v7 =	vld [tilespmem:$0x11F0]  }
0xae: {  	v0 =	vadd.f32 v3, v0;
	v3 =	vld.idx.msk [tilespmem:v8+s2+$0x0], $0xffff  }
0xaf: {  	v8 =	vld [tilespmem:$0x1200]  }
0xb0: {  	v0 =	vadd.f32 v1, v0;
	v1 =	vld.idx.msk [tilespmem:v9+s2+$0x0], $0xffff  }
0xb1: {  	v9 =	vld [tilespmem:$0x1210]  }
0xb2: {  	v0 =	vadd.f32 v2, v0;
	v2 =	vld.idx.msk [tilespmem:v10+s2+$0x0], $0xffff  }
0xb3: {  	v10 =	vld [tilespmem:$0x1220]  }
0xb4: {  	v0 =	vadd.f32 v3, v0;
	v3 =	vld.idx.msk [tilespmem:v11+s2+$0x0], $0xffff  }
0xb5: {  	v11 =	vld [tilespmem:$0x1230]  }
0xb6: {  	v0 =	vadd.f32 v1, v0;
	v1 =	vld.idx.msk [tilespmem:v4+s2+$0x0], $0xffff  }
0xb7: {  	v4 =	vld [tilespmem:$0x1240]  }
0xb8: {  	v0 =	vadd.f32 v2, v0;
	v2 =	vld.idx.msk [tilespmem:v5+s2+$0x0], $0xffff  }
0xb9: {  	v5 =	vld [tilespmem:$0x1250]  }
0xba: {  	v0 =	vadd.f32 v3, v0;
	v3 =	vld.idx.msk [tilespmem:v6+s2+$0x0], $0xffff  }
0xbb: {  	v6 =	vld [tilespmem:$0x1260]  }
0xbc: {  	v0 =	vadd.f32 v1, v0;
	v1 =	vld.idx.msk [tilespmem:v7+s2+$0x0], $0xffff  }
0xbd: {  	v7 =	vld [tilespmem:$0x1270]  }
0xbe: {  	v0 =	vadd.f32 v2, v0;
	v2 =	vld.idx.msk [tilespmem:v8+s2+$0x0], $0xffff;
	_ =	sdelay $0x1  }
0xbf: {  	v0 =	vadd.f32 v3, v0;
	v3 =	vld.idx.msk [tilespmem:v9+s2+$0x0], $0xffff;
	_ =	sdelay $0x1  }
0xc0: {  	v0 =	vadd.f32 v1, v0;
	v1 =	vld.idx.msk [tilespmem:v10+s2+$0x0], $0xffff;
	_ =	sdelay $0x1  }
0xc1: {  	v0 =	vadd.f32 v2, v0;
	v2 =	vld.idx.msk [tilespmem:v11+s2+$0x0], $0xffff;
	_ =	sdelay $0x1  }
0xc2: {  	v0 =	vadd.f32 v3, v0;
	v3 =	vld.idx.msk [tilespmem:v4+s2+$0x0], $0xffff;
	_ =	sdelay $0x1  }
0xc3: {  	v0 =	vadd.f32 v1, v0;
	v1 =	vld.idx.msk [tilespmem:v5+s2+$0x0], $0xffff;
	_ =	sdelay $0x1  }
0xc4: {  	v0 =	vadd.f32 v2, v0;
	v2 =	vld.idx.msk [tilespmem:v6+s2+$0x0], $0xffff;
	_ =	sdelay $0x1  }
0xc5: {  	v0 =	vadd.f32 v3, v0;
	v3 =	vld.idx.msk [tilespmem:v7+s2+$0x0], $0xffff;
	_ =	sdelay $0x1  }
0xc6: {  	v0 =	vadd.f32 v1, v0;
	_ =	sdelay $0x1  }
0xc7: {  	v0 =	vadd.f32 v2, v0;
	_ =	sdelay $0x1  }
0xc8: {  	v0 =	vadd.f32 v3, v0  }
.Ltmp1:
0xc9: {  	(pc) =	sbr.rel @p0 .LBB2_1-.Ltmp1, $4  }
0xca: {  	[tilespmem:$0x1280] =	vst v0  }
0xcb: {  	[hbm4b:s7+s2] =	stream.linear.scatter [tilespmem:s8], [sflag:$0x1], $0x10, $0x38;
	[tilespmem:$0x1300] =	vst v63  }
0xcc: {  	_ =	swait.ge [sflag:s4], $0x10  }
0xcd: {  	[sflag:s4] =	ssyncset.done $0x0  }
.LBB2_2:
0xce: {  	[sflag:s4] =	ssyncadd.s32 $0xFFFFFFF0  }
0xcf: {  	_ =	sfence.sel $0x180000  }
0xd0: {  	[bflag:$0x0] =	sbarrier.arrive $0xFFFF  }
0xd1: {  	p0 =	sne.s32 s1, $0x0;
	_ =	strace $0x9000004A  }
0xd2: {  	s0 =	sadd.s32 @!p0 $0x100000, s0;
	[bflag:$0x2] =	sbarrier.arrive $0xFFFF  }
0xd3: {  	[sflag:s0] =	ssyncadd.tile.s32 @!p0 $0x1;
	_ =	shalt  }
.Lfunc_end2:
_tile_overlayer_lowered:
.L_overlay_start_2:
0xd4: {  	(tag) =	ssettag $0x2  }
0xd5: {  	s0 =	rddreg [dreg:$0x0];
	s2 =	stileid.u32  }
0xd6: {  	s1 =	rddreg [dreg:$0x1];
	p0 =	sne.s32 s2, $0x0  }
0xd7: {  	s3 =	rddreg [dreg:$0x2];
	[bflag:$0x3] =	sbarrier.arrive $0xFFFF;
	s2 =	simm.s32 @!p0 $0x1C01  }
0xd8: {  	[timem:s3], [sflag:s2] =	dma.local @!p0 [hbm:s0], s1  }
0xd9: {  	s0 =	simm.s32 @!p0 $0x1  }
0xda: {  	_ =	swait.ge @!p0 [sflag:s0], s1  }
0xdb: {  	s1 =	ssub.s32 @!p0 $0x0, s1;
	[sflag:s0] =	ssyncset.done @!p0 $0x0  }
0xdc: {  	[sflag:s0] =	ssyncadd.s32 @!p0 s1  }
0xdd: {  	[bflag:$0x3] =	sbarrier.arrive $0xFFFF  }
0xde: {  	_ =	shalt  }

// kernel: sparse-core-data-format-call.cloned.1.call-start
scs
called_computation_lowered:
.L_overlay_start_0:
0x0: {  	s2 =	sld [smem:$0x3FD9]  }
0x1: {  	s3 =	sld [smem:$0x3FFE];
	_ =	sdelay $0x1  }
0x2: {  	s1 =	srdreg.scid  }
0x3: {  	s0 =	sand.u32 $0x1, s1  }
0x4: {  	s16 =	sshll.u32 s0, $0xA;
	s2 =	sadd.s32 s3, s2  }
0x5: {  	s2 =	sadd.s32 s2, s16  }
0x6: {  	[smem:$0x3FC5] =	sst s2  }
0x7: {  	_ = 	snop  }
0x8: {  	s2 =	sld [smem:$0x3FD0];
	_ =	sdelay $0x2  }
0x9: {  	s17 =	simm.s32 $0xB;
	s4 =	simm.s32 $0x10  }
0xa: {  	[smem:s4], [sflag:s17] =	dma.local [hbm:s2], $0x1  }
0xb: {  	_ =	swait.eq [sflag:s17], $0x1  }
0xc: {  	[sflag:s17] =	ssyncset.done $0x0  }
0xd: {  	[sflag:s17] =	ssyncadd.s32 $0xFFFFFFFF  }
0xe: {  	s18 =	sld [smem:$0x10];
	(tm) =	ssettm $0x1  }
0xf: {  	s19 =	sld [smem:$0x3FFB];
	_ =	sdelay $0x3  }
0x10: {  	_ =	strace s19  }
0x11: {  	s2 =	sld [smem:$0x3FFC];
	_ =	sdelay $0x3  }
0x12: {  	_ =	strace s2  }
0x13: {  	s2 =	sld [smem:$0x3FFD];
	_ =	sdelay $0x3  }
0x14: {  	_ =	strace s2  }
0x15: {  	_ =	strace $0x8FFFFFFF  }
0x16: {  	s20 =	sld [smem:$0x3FDB];
	_ =	sdelay $0x1  }
0x17: {  	s21 =	simm.s32 $_scs_section_size  }
0x18: {  	s5 =	simm.s32 $_size__tile_overlayer_lowered;
	s6 =	simm.s32 $_tile_overlayer_lowered  }
0x19: {  	s7 =	simm.s32 $0x1BFF;
	s22 =	sshll.u32 s6, $0x1;
	s4 =	sadd.s32 s21, s20  }
0x1a: {  	s23 =	simm.s32 $0x0;
	s5 =	sshll.u32 s5, $0x1;
	s6 =	sadd.s32 s22, s4  }
0x1b: {  	[timem:s23], [sflag:s7] =	dma.local [hbm:s6], s5  }
0x1c: {  	_ =	swait.ge [sflag:s7], s5  }
0x1d: {  	s5 =	ssub.s32 $0x0, s5;
	[sflag:s7] =	ssyncset.done $0x0  }
0x1e: {  	[sflag:s7] =	ssyncadd.s32 s5;
	_ =	sdelay $0x1  }
0x1f: {  	s24 =	simm.s32 $0x1B8B  }
0x20: {  	_ =	swait.ge [sflag:s24], $0x1  }
0x21: {  	[sflag:s24] =	ssyncset.done $0x0  }
0x22: {  	[sflag:s24] =	ssyncadd.s32 $0xFFFFFFFF  }
0x23: {  	s5 =	sld [smem:$0x0]  }
0x24: {  	s6 =	sand.u32 $0xFFFFFFFE, s1  }
0x25: {  	p0 =	sne.s32 s1, s6  }
0x26: {  	s6 =	sshll.u32 @p0 s6, $0xE  }
0x27: {  	s6 =	sadd.s32 @p0 $0x11B8D, s6;
	s7 =	sshll.u32 @p0 s5, $0x11  }
0x28: {  	s6 =	sor.u32 @p0 s7, s6  }
0x29: {  	[sflag:s6] =	ssyncadd.remote.s32 @p0 $0x1;
	_ =	sdelay $0x1  }
0x2a: {  	s6 =	simm.s32 @p0 $0x1B8D  }
0x2b: {  	_ =	swait.eq @p0 [sflag:s6], $0x1  }
0x2c: {  	[sflag:s6] =	ssyncadd.s32 @p0 $0xFFFFFFFF  }
0x2d: {  	s7 =	sshll.u32 @!p0 s1, $0xE  }
0x2e: {  	s7 =	sor.u32 @!p0 $0x4000, s7;
	s6 =	simm.s32 @!p0 $0x1B8D  }
0x2f: {  	s5 =	sshll.u32 @!p0 s5, $0x11;
	s7 =	sadd.s32 @!p0 $0x11B8D, s7;
	_ =	swait.eq @!p0 [sflag:s6], $0x1  }
0x30: {  	s5 =	sor.u32 @!p0 s5, s7;
	[sflag:s6] =	ssyncadd.s32 @!p0 $0xFFFFFFFF  }
0x31: {  	s26 =	simm.s32 $0x1B8E;
	s25 =	sld [smem:$0x3FFE];
	[sflag:s5] =	ssyncadd.remote.s32 @!p0 $0x1  }
0x32: {  	s27 =	simm.s32 $execute0_lowered;
	[smem:$0x3FD2] =	sst s26  }
0x33: {  	s6 =	sshll.u32 s27, $0x1;
	_ =	strace $0x8000004C;
	[dreg:$0x1] =	wrdreg $0xFFFFFFFF  }
0x34: {  	s28 =	simm.s32 $_size_execute0_lowered;
	s4 =	sadd.s32 s4, s6;
	[dreg:$0x0] =	wrdreg $0x0  }
0x35: {  	s6 =	sshll.u32 s28, $0x1;
	[dreg:$0x2] =	wrdreg s4  }
0x36: {  	[dreg:$0x3] =	wrdreg s6  }
0x37: {  	[dreg:$0x4] =	wrdreg $0xC0  }
0x38: {  	_ =	task [dreg:s23], $0x5FFFF  }
0x39: {  	[dreg:$0x1] =	wrdreg $0xFFFFFFFF  }
0x3a: {  	[dreg:$0x0] =	wrdreg $0x60  }
0x3b: {  	[dreg:$0x2] =	wrdreg s25  }
0x3c: {  	[dreg:$0x3] =	wrdreg s18  }
0x3d: {  	[dreg:$0x4] =	wrdreg $0xA  }
0x3e: {  	_ =	task.clear_ibuf [dreg:s23], $0x5FFFF;
	_ =	strace $0x9000004C  }
0x3f: {  	s29 =	simm.s32 $0xA;
	_ =	strace $0x8000004E  }
0x40: {  	_ =	swait.ge [sflag:s29], $0x1  }
0x41: {  	[sflag:s29] =	ssyncadd.s32 $0xFFFFFFFF  }
0x42: {  	_ =	strace $0x9000004E  }
0x43: {  	_ =	sfence  }
0x44: {  	s30 =	sld [smem:$0x0];
	_ =	sdelay $0x2  }
0x45: {  	s31 =	sshll.u32 s1, $0xD;
	s1 =	sshrl.u32 s1, $0x2  }
0x46: {  	s4 =	sand.u32 $0x4000, s31;
	s1 =	sadd.s32 s1, s30  }
0x47: {  	s0 =	sor.u32 s4, s0;
	s1 =	sshll.u32 s1, $0x11  }
0x48: {  	s0 =	sor.u32 s1, s0  }
0x49: {  	s0 =	sadd.s32 $0x8F2B, s0  }
0x4a: {  	[sflag:s0] =	ssyncadd.remote.s32 $0x1  }
0x4b: {  	_ =	sfence.sel $0xFFFF  }
0x4c: {  	[dreg:$0x0] =	wrdreg $0xFFFFFFFF;
	(pc) =	sbr.abs _section_cstart, $3  }
0x4d: {  	[dreg:$0x1] =	wrdreg $0xFFFFFFFF  }
0x4e: {  	_ =	task.clear_ibuf [dreg:s23], $0x2FFFF;
	_ =	strace $0x9FFFFFFF  }
0x4f: {  	(tm) =	ssettm $0x7FFFFFFF  }
tec
execute0_lowered:
.L_overlay_start_1:
0x0: {  	(tag) =	ssettag $0x1  }
0x1: {  	s0 =	stileid.u32;
	s1 =	srdreg.scid  }
0x2: {  	s2 =	sshll.u32 s0, $0x7;
	s3 =	sshll.u32 s0, $0x4;
	s4 =	sshll.u32 s1, $0x8  }
0x3: {  	s7 =	rddreg [dreg:$0x0];
	s1 =	sand.u32 $0x380, s2;
	s29 =	sor.u32 s3, s4  }
0x4: {  	s8 =	simm.s32 $0x2;
	s2 =	sand.u32 $0x180, s29;
	s30 =	ssub.s32 $0x400, s1  }
0x5: {  	s15 =	simm.s32 $0x0;
	s31 =	sand.u32 $0x380, s30;
	s5 =	ssub.s32 $0x1000, s2  }
0x6: {  	s4 =	simm.s32 $0x1;
	p0 =	sne.s32 s31, $0x0;
	s6 =	sand.u32 $0x180, s5  }
0x7: {  	s4 =	simm.s32 @!p0 $0x0;
	p0 =	sne.s32 s6, $0x0;
	s6 =	simm.s32 $0x1  }
0x8: {  	s3 =	sshrl.u32 s30, $0xA;
	s5 =	sshrl.u32 s5, $0x9;
	s6 =	simm.s32 @!p0 $0x0  }
0x9: {  	s9 =	simm.s32 $0x8000;
	s3 =	sadd.s32 s4, s3;
	s5 =	sadd.s32 s6, s5  }
0xa: {  	s10 =	simm.s32 $0x0;
	s16 =	simm.s32 $0x0;
	s6 =	smul.u32 s5, s3  }
.Ltmp0:
0xb: {  	s17 =	simm.s32 $0x0;
	s4 =	rddreg [dreg:$0x1];
	(pc) =	sbr.rel .LBB1_1-.Ltmp0, $4  }
0xc: {  	s12 =	simm.s32 $0x0;
	s14 =	simm.s32 $0x0;
	s3 =	rddreg [dreg:$0x2]  }
0xd: {  	_ =	strace $0x8000004D;
	s5 =	simm.s32 $0x1;
	s6 =	smul.u32 $0x14, s6  }
0xe: {  	s7 =	sadd.s32 $0x3200, s7;
	s13 =	smov.u32 s1;
	[sflag:s5] =	ssyncpa.u1 $0x0  }
0xf: {  	s11 =	smov.u32 s2;
	[sflag:s8] =	ssyncpa.u1 $0x0;
	s8 =	sor.u32 $0x1, s6  }
.LBB1_4:
0x10: {  	_ =	sdelay $0x3  }
0x11: {  	[tilespmem:v0+s20+$0xFFFFFFD0 ss:$0x1] =	vst.idx.msk $0xffff, v6  }
0x12: {  	v56 =	vld.idx.msk [tilespmem:v1+s19+$0x0 ss:$0x1], $0xffff;
	[tilespmem:v0+s20+$0xFFFFFFE0 ss:$0x1] =	vst.idx.msk $0xffff, v4  }
0x13: {  	v57 =	vld.idx.msk [tilespmem:v1+s19+$0xFFFFFF90 ss:$0x1], $0xffff;
	[tilespmem:v0+s20+$0xFFFFFFF0 ss:$0x1] =	vst.idx.msk $0xffff, v2  }
0x14: {  	v58 =	vld.idx.msk [tilespmem:v1+s19+$0xFFFFFFA0 ss:$0x1], $0xffff;
	[tilespmem:v0+s20+$0x0 ss:$0x1] =	vst.idx.msk $0xffff, v3  }
0x15: {  	v59 =	vld.idx.msk [tilespmem:v1+s19+$0xFFFFFFB0 ss:$0x1], $0xffff;
	[tilespmem:v0+s20+$0x10 ss:$0x1] =	vst.idx.msk $0xffff, v5  }
0x16: {  	v60 =	vld.idx.msk [tilespmem:v1+s19+$0xFFFFFFC0 ss:$0x1], $0xffff;
	[tilespmem:v0+s20+$0x20 ss:$0x1] =	vst.idx.msk $0xffff, v7  }
0x17: {  	v61 =	vld.idx.msk [tilespmem:v1+s19+$0xFFFFFFD0 ss:$0x1], $0xffff;
	[tilespmem:v0+s19+$0x30 ss:$0x1] =	vst.idx.msk $0xffff, v56  }
0x18: {  	v62 =	vld.idx.msk [tilespmem:v1+s19+$0xFFFFFFE0 ss:$0x1], $0xffff;
	s27 =	sand.u32 $0x78, s15;
	s21 =	sshll.u32 s17, $0xC;
	s28 =	sshll.u32 s17, $0x7;
	[tilespmem:v0+s19+$0xFFFFFFC0 ss:$0x1] =	vst.idx.msk $0xffff, v57  }
0x19: {  	v63 =	vld.idx.msk [tilespmem:v1+s19+$0xFFFFFFF0 ss:$0x1], $0xffff;
	s22 =	sshll.u32 s15, $0x3;
	s16 =	sshll.u32 s16, $0x13;
	s21 =	sand.u32 $0x3F8000, s21;
	[tilespmem:v0+s19+$0xFFFFFFD0 ss:$0x1] =	vst.idx.msk $0xffff, v58  }
0x1a: {  	s31 =	sand.u32 $0x7, s15;
	s17 =	sand.u32 $0x380, s28;
	s29 =	sadd.s32 s21, s22;
	[tilespmem:v0+s19+$0xFFFFFFE0 ss:$0x1] =	vst.idx.msk $0xffff, v59  }
0x1b: {  	s30 =	sand.u32 $0xC00, s22;
	s17 =	sor.u32 s17, s27;
	s20 =	sshrl.u32 s29, $0x3;
	[tilespmem:v0+s19+$0xFFFFFFF0 ss:$0x1] =	vst.idx.msk $0xffff, v60  }
0x1c: {  	s16 =	sadd.s32 s4, s16;
	s17 =	sor.u32 s30, s17;
	s20 =	sand.u32 $0x7FE00, s20;
	[tilespmem:v0+s19+$0x0 ss:$0x1] =	vst.idx.msk $0xffff, v61  }
0x1d: {  	s15 =	sshll.u32 s31, $0x12;
	s17 =	sshrl.u32 s17, $0x3;
	[tilespmem:v0+s19+$0x10 ss:$0x1] =	vst.idx.msk $0xffff, v62;
	s16 =	sadd.s32 s20, s16  }
0x1e: {  	s15 =	sor.u32 $0x400, s15;
	[tilespmem:v0+s19+$0x20 ss:$0x1] =	vst.idx.msk $0xffff, v63;
	s16 =	sadd.s32 s17, s16  }
0x1f: {  	[hbm4b:s16+s15] =	stream.strided.scatter [tilespmem:s18], [sflag:$0x2], $0x4000, s9, s15, $0x38;
	[tilespmem:$0x10000] =	vst v63  }
.LBB1_5:
0x20: {  	s18 =	sadd.s32 $0x200, s11  }
0x21: {  	s15 =	simm.s32 $0x1;
	p1 =	sgt.s32 s18, $0xFFF  }
0x22: {  	s15 =	simm.s32 @!p1 $0x0  }
0x23: {  	s19 =	sadd.s32 s15, s12  }
0x24: {  	s21 =	smov.u32 s13;
	s15 =	sadd.s32 $0x400, s13;
	p2 =	sgt.s32 s19, $0x13  }
0x25: {  	s21 =	smov.u32 @p2 s15  }
0x26: {  	p0 =	slt.u32 s14, $0x2;
	s18 =	smov.u32 @p1 s2;
	p1 =	sgt.s32 s21, $0x3FF  }
0x27: {  	s20 =	simm.s32 @!p0 $0x2;
	s21 =	smov.u32 @p1 s1;
	p1 =	sne.s32 s14, s8  }
.Ltmp1:
0x28: {  	_ =	swait.ge @!p0 [sflag:s20], $0x4000;
	(pc) =	sbr.rel @!p1 .LBB1_6-.Ltmp1, $4  }
0x29: {  	s16 =	smov.u32 s12;
	[sflag:s20] =	ssyncset.done @!p0 $0x0  }
0x2a: {  	s17 =	smov.u32 s13;
	s10 =	sadd.s32 $0x4000, s10;
	[sflag:s20] =	ssyncadd.s32 @!p0 $0xFFFFC000  }
0x2b: {  	s19 =	simm.s32 @p2 $0x0;
	s15 =	smov.u32 s11;
	s11 =	smov.u32 s18  }
0x2c: {  	s12 =	smov.u32 s19;
	s14 =	sadd.s32 $0x1, s14;
	s13 =	smov.u32 s21  }
.LBB1_1:
0x2d: {  	p0 =	sge.u32 s14, s6  }
0x2e: {  	s18 =	sshll.u32 @!p0 s12, $0xC  }
0x2f: {  	s19 =	sshll.u32 @!p0 s11, $0x3;
	s18 =	sand.u32 @!p0 $0xFFFF8000, s18  }
0x30: {  	s18 =	sadd.s32 @!p0 s18, s19  }
0x31: {  	s31 =	sadd.s32 $0xFFFFFFFF, s14;
	s22 =	sshll.u32 @!p0 s12, $0x7;
	s18 =	sshrl.u32 @!p0 s18, $0xC  }
0x32: {  	s23 =	sand.u32 @!p0 $0x78, s11;
	s22 =	sand.u32 @!p0 $0x380, s22;
	s21 =	smulhi.u32 @!p0 $0xAAAAAAB, s18  }
0x33: {  	s20 =	sxor.u32 @!p0 $0xFFFFFFFF, s14;
	s22 =	sor.u32 @!p0 s22, s23;
	s23 =	smul.u32 @!p0 $0x3000, s13  }
0x34: {  	s20 =	sshll.u32 @!p0 s20, $0xE;
	s19 =	sand.u32 @!p0 $0xC00, s19;
	s21 =	smul.u32 @!p0 $0x18, s21  }
0x35: {  	s20 =	sand.u32 @!p0 $0x4000, s20;
	s19 =	sor.u32 @!p0 s19, s22;
	s22 =	sand.u32 @!p0 $0x7, s11  }
0x36: {  	s19 =	sshrl.u32 @!p0 s19, $0x3;
	s18 =	ssub.s32 @!p0 s18, s21;
	s21 =	sadd.s32 @!p0 s7, s23  }
0x37: {  	s18 =	sshll.u32 @!p0 s18, $0x9;
	s19 =	sadd.s32 @!p0 s19, s21;
	s21 =	sshll.u32 @!p0 s22, $0x12  }
0x38: {  	s18 =	sadd.s32 @!p0 s18, s19;
	s19 =	sor.u32 @!p0 $0x80, s21;
	s21 =	simm.s32 @!p0 $0x18000  }
0x39: {  	[tilespmem:s20], [sflag:$0x1] =	stream.strided.gather @!p0 [hbm4b:s18+s19], $0x4000, s21, s19, $0x38;
	[tilespmem:$0x10000] =	vst v63  }
0x3a: {  	p0 =	sge.u32 s31, s6  }
.Ltmp2:
0x3b: {  	_ = 	snop;
	(pc) =	sbr.rel @p0 .LBB1_5-.Ltmp2, $1  }
0x3c: {  	_ =	sdelay $0x3  }
0x3d: {  	s18 =	sand.u32 $0x4000, s10  }
0x3e: {  	s19 =	sor.u32 $0x70, s18  }
0x3f: {  	v1 =	vmov s19;
	_ =	sdelay $0x1  }
0x40: {  	_ =	swait.ge [sflag:s5], $0x4000  }
0x41: {  	[sflag:s5] =	ssyncset.done $0x0  }
0x42: {  	s20 =	simm.s32 $0x0;
	[sflag:s5] =	ssyncadd.s32 $0xFFFFC000  }
0x43: {  	s18 =	sor.u32 $0x8040, s18;
	v7 =	vld.idx.msk [tilespmem:v1+s20+$0x0 ss:$0x1], $0xffff  }
0x44: {  	v0 =	vmov s18;
	v8 =	vld.idx.msk [tilespmem:v1+s20+$0xFFFFFF90 ss:$0x1], $0xffff  }
0x45: {  	v6 =	vld.idx.msk [tilespmem:v1+s20+$0xFFFFFFA0 ss:$0x1], $0xffff  }
0x46: {  	v4 =	vld.idx.msk [tilespmem:v1+s20+$0xFFFFFFB0 ss:$0x1], $0xffff  }
0x47: {  	v2 =	vld.idx.msk [tilespmem:v1+s20+$0xFFFFFFC0 ss:$0x1], $0xffff  }
0x48: {  	s31 =	sshll.u32 s14, $0xE;
	v3 =	vld.idx.msk [tilespmem:v1+s20+$0xFFFFFFD0 ss:$0x1], $0xffff  }
0x49: {  	s18 =	sand.u32 $0x4000, s31;
	v5 =	vld.idx.msk [tilespmem:v1+s20+$0xFFFFFFE0 ss:$0x1], $0xffff;
	[tilespmem:v0+s20+$0x30 ss:$0x1] =	vst.idx.msk $0xffff, v7  }
0x4a: {  	s21 =	simm.s32 $0x400;
	s19 =	simm.s32 $0x80;
	s18 =	sor.u32 $0x8000, s18;
	[tilespmem:v0+s20+$0xFFFFFFC0 ss:$0x1] =	vst.idx.msk $0xffff, v8;
	v7 =	vld.idx.msk [tilespmem:v1+s20+$0xFFFFFFF0 ss:$0x1], $0xffff  }
.LBB1_3:
0x4b: {  	p0 =	sne.s32 s21, $0xFE00;
	v8 =	vld.idx.msk [tilespmem:v1+s19+$0x0 ss:$0x1], $0xffff;
	[tilespmem:v0+s20+$0xFFFFFFD0 ss:$0x1] =	vst.idx.msk $0xffff, v6  }
0x4c: {  	v9 =	vld.idx.msk [tilespmem:v1+s19+$0xFFFFFF90 ss:$0x1], $0xffff;
	[tilespmem:v0+s20+$0xFFFFFFE0 ss:$0x1] =	vst.idx.msk $0xffff, v4  }
0x4d: {  	v6 =	vld.idx.msk [tilespmem:v1+s19+$0xFFFFFFA0 ss:$0x1], $0xffff;
	[tilespmem:v0+s20+$0xFFFFFFF0 ss:$0x1] =	vst.idx.msk $0xffff, v2  }
.Ltmp3:
0x4e: {  	v4 =	vld.idx.msk [tilespmem:v1+s19+$0xFFFFFFB0 ss:$0x1], $0xffff;
	[tilespmem:v0+s20+$0x0 ss:$0x1] =	vst.idx.msk $0xffff, v3;
	(pc) =	sbr.rel @p0 .LBB1_3-.Ltmp3, $4  }
0x4f: {  	v2 =	vld.idx.msk [tilespmem:v1+s19+$0xFFFFFFC0 ss:$0x1], $0xffff;
	[tilespmem:v0+s20+$0x10 ss:$0x1] =	vst.idx.msk $0xffff, v5  }
0x50: {  	v3 =	vld.idx.msk [tilespmem:v1+s19+$0xFFFFFFD0 ss:$0x1], $0xffff;
	[tilespmem:v0+s20+$0x20 ss:$0x1] =	vst.idx.msk $0xffff, v7;
	s20 =	smov.u32 s19  }
0x51: {  	v5 =	vld.idx.msk [tilespmem:v1+s20+$0xFFFFFFE0 ss:$0x1], $0xffff;
	[tilespmem:v0+s20+$0x30 ss:$0x1] =	vst.idx.msk $0xffff, v8  }
0x52: {  	s19 =	sshra.s32 s21, $0x2;
	s21 =	sadd.s32 $0x200, s21;
	[tilespmem:v0+s20+$0xFFFFFFC0 ss:$0x1] =	vst.idx.msk $0xffff, v9;
	v7 =	vld.idx.msk [tilespmem:v1+s20+$0xFFFFFFF0 ss:$0x1], $0xffff  }
.Ltmp4:
0x53: {  	_ = 	snop;
	(pc) =	sbr.rel .LBB1_4-.Ltmp4, $1  }
0x54: {  	_ =	sdelay $0x3  }
.LBB1_6:
0x55: {  	_ =	sfence.sel $0x180000  }
0x56: {  	s1 =	simm.s32 $0x1;
	[bflag:$0x0] =	sbarrier.arrive $0xFFFF  }
0x57: {  	s31 =	simm.s32 $0x2;
	[sflag:s1] =	ssyncpa.u1 $0x1  }
0x58: {  	[sflag:s31] =	ssyncpa.u1 $0x1  }
0x59: {  	p0 =	sne.s32 s0, $0x0;
	_ =	strace $0x9000004D  }
0x5a: {  	s0 =	sadd.s32 @!p0 $0x100000, s3;
	[bflag:$0x2] =	sbarrier.arrive $0xFFFF  }
0x5b: {  	[sflag:s0] =	ssyncadd.tile.s32 @!p0 $0x1;
	_ =	shalt  }
.Lfunc_end1:
_tile_overlayer_lowered:
.L_overlay_start_2:
0x5c: {  	(tag) =	ssettag $0x2  }
0x5d: {  	s0 =	rddreg [dreg:$0x0];
	s2 =	stileid.u32  }
0x5e: {  	s1 =	rddreg [dreg:$0x1];
	p0 =	sne.s32 s2, $0x0  }
0x5f: {  	s3 =	rddreg [dreg:$0x2];
	[bflag:$0x3] =	sbarrier.arrive $0xFFFF;
	s2 =	simm.s32 @!p0 $0x1C01  }
0x60: {  	[timem:s3], [sflag:s2] =	dma.local @!p0 [hbm:s0], s1  }
0x61: {  	s0 =	simm.s32 @!p0 $0x1  }
0x62: {  	_ =	swait.ge @!p0 [sflag:s0], s1  }
0x63: {  	s1 =	ssub.s32 @!p0 $0x0, s1;
	[sflag:s0] =	ssyncset.done @!p0 $0x0  }
0x64: {  	[sflag:s0] =	ssyncadd.s32 @!p0 s1  }
0x65: {  	[bflag:$0x3] =	sbarrier.arrive $0xFFFF  }
0x66: {  	_ =	shalt  }

</sc_bundles>
